<compile_context>
chip_gen: v7x
topology: tpu7x:2x2x1
jax: 0.10.2.dev20260603
libtpu: 0.0.44.dev20260713+nightly
codegen_flags: <defaults>
</compile_context>

<pallas_src>
import functools

import jax
import jax.numpy as jnp
from jax import lax
from jax.experimental import pallas as pl
from jax.experimental.pallas import tpu as pltpu
from jax.experimental.pallas import tpu_sc as plsc

_NC = 2
_NS = 16
_NW = _NC * _NS
_DEG_W = 16


def _chunk_size(edges_per_worker: int) -> int:
    for ch in range(128, 0, -1):
        if edges_per_worker % ch == 0 and (edges_per_worker // ch) % 4 == 0:
            return ch
    raise ValueError(f"no valid chunk size for {edges_per_worker}")


def _sc_degree(ei3d, ones_rows, zeros_slab, n_pad):
    _, nrows, ch = ei3d.shape
    nchunk = nrows // _NW
    rpt = n_pad // _NS
    mesh = plsc.VectorSubcoreMesh(core_axis_name="c", subcore_axis_name="s")

    @functools.partial(
        pl.kernel,
        out_type=jax.ShapeDtypeStruct((_NC, n_pad, _DEG_W), jnp.float32),
        mesh=mesh,
        scratch_types=[
            pltpu.VMEM((nchunk, ch), jnp.int32),
            pltpu.VMEM((ch, _DEG_W), jnp.float32),
            pltpu.VMEM((rpt, _DEG_W), jnp.float32),
            pltpu.VMEM_SHARED((n_pad, _DEG_W), jnp.float32),
            pltpu.SemaphoreType.DMA,
        ],
        compiler_params=pltpu.CompilerParams(use_tc_tiling_on_sc=False),
    )
    def k(ei_hbm, ones_hbm, zeros_hbm, out_hbm, dstv, onesv, slab,
          acc, sem):
        c = lax.axis_index("c")
        sid = lax.axis_index("s")
        wid = sid * _NC + c
        rbase = sid * rpt
        pltpu.sync_copy(zeros_hbm, acc.at[pl.ds(rbase, rpt)])
        pltpu.sync_copy(ones_hbm, onesv)
        pltpu.sync_copy(ei_hbm.at[1, pl.ds(wid * nchunk, nchunk)], dstv)
        plsc.subcore_barrier()

        pltpu.async_copy(onesv, acc.at[dstv.at[0]], sem, add=True)

        def step(i, carry):
            pltpu.async_copy(onesv, acc.at[dstv.at[i + 1]], sem, add=True)
            pltpu.make_async_copy(onesv, acc.at[dstv.at[i]], sem).wait()
            return carry

        lax.fori_loop(0, nchunk - 1, step, 0)
        pltpu.make_async_copy(onesv, acc.at[dstv.at[0]], sem).wait()
        plsc.subcore_barrier()
        pltpu.sync_copy(acc.at[pl.ds(rbase, rpt)], slab)
        pltpu.sync_copy(slab, out_hbm.at[c, pl.ds(rbase, rpt)])

    return k(ei3d, ones_rows, zeros_slab)


def _sc_propagate(ei3d, g, zeros_slab, n_pad):
    d = g.shape[1]
    _, nrows, ch = ei3d.shape
    nchunk = nrows // _NW
    rpt = n_pad // _NS
    mesh = plsc.VectorSubcoreMesh(core_axis_name="c", subcore_axis_name="s")

    nbuf = 8 if nchunk % 8 == 0 else 4
    half = nbuf // 2

    @functools.partial(
        pl.kernel,
        out_type=jax.ShapeDtypeStruct((_NC, n_pad, d), jnp.float32),
        mesh=mesh,
        scratch_types=(
            [pltpu.VMEM((nchunk, ch), jnp.int32)] * 2
            + [pltpu.VMEM((ch, d), jnp.float32)] * nbuf
            + [pltpu.SemaphoreType.DMA] * (2 * nbuf)
            + [pltpu.VMEM_SHARED((n_pad, d), jnp.float32)]
        ),
        compiler_params=pltpu.CompilerParams(use_tc_tiling_on_sc=False),
    )
    def k(ei_hbm, g_hbm, zeros_hbm, out_hbm, *sc):
        srcv, dstv = sc[0], sc[1]
        rows = sc[2:2 + nbuf]
        gsem = sc[2 + nbuf:2 + 2 * nbuf]
        ssem = sc[2 + 2 * nbuf:2 + 3 * nbuf]
        acc = sc[2 + 3 * nbuf]
        c = lax.axis_index("c")
        sid = lax.axis_index("s")
        wid = sid * _NC + c
        rbase = sid * rpt
        pltpu.sync_copy(zeros_hbm, acc.at[pl.ds(rbase, rpt)])
        pltpu.sync_copy(ei_hbm.at[0, pl.ds(wid * nchunk, nchunk)], srcv)
        pltpu.sync_copy(ei_hbm.at[1, pl.ds(wid * nchunk, nchunk)], dstv)
        plsc.subcore_barrier()

        for b in range(half):
            pltpu.async_copy(g_hbm.at[srcv.at[b]], rows[b], gsem[b])

        def group(j, carry):
            for b in range(nbuf):
                i = nbuf * j + b
                fb = (b + half) % nbuf
                pltpu.make_async_copy(g_hbm.at[srcv.at[i]], rows[b],
                                      gsem[b]).wait()
                if b < half:
                    @pl.when(j > 0)
                    def _():
                        pltpu.make_async_copy(rows[fb], acc.at[dstv.at[i]],
                                              ssem[fb]).wait()
                    pltpu.async_copy(g_hbm.at[srcv.at[i + half]], rows[fb],
                                     gsem[fb])
                else:
                    pltpu.make_async_copy(rows[fb], acc.at[dstv.at[i]],
                                          ssem[fb]).wait()

                    @pl.when(j < nchunk // nbuf - 1)
                    def _():
                        pltpu.async_copy(g_hbm.at[srcv.at[i + half]],
                                         rows[fb], gsem[fb])
                pltpu.async_copy(rows[b], acc.at[dstv.at[i]], ssem[b],
                                 add=True)
            return carry

        lax.fori_loop(0, nchunk // nbuf, group, 0)
        for b in range(half, nbuf):
            pltpu.make_async_copy(rows[b], acc.at[dstv.at[0]], ssem[b]).wait()
        plsc.subcore_barrier()
        pltpu.sync_copy(acc.at[pl.ds(rbase, rpt)],
                        out_hbm.at[c, pl.ds(rbase, rpt)])

    return k(ei3d, g, zeros_slab)


def _tc_prep(x, W1, degp):
    n = x.shape[0]

    def body(x_ref, w_ref, degp_ref, g_ref, s_ref):
        deg = degp_ref[0, :n] + degp_ref[1, :n]
        s = lax.rsqrt(deg[:, 0:1] + 1.0)
        s_ref[...] = s
        g_ref[...] = jnp.dot(x_ref[...], w_ref[...],
                             preferred_element_type=jnp.float32) * s

    return pl.pallas_call(
        body,
        out_shape=(
            jax.ShapeDtypeStruct((n, W1.shape[1]), jnp.float32),
            jax.ShapeDtypeStruct((n, 1), jnp.float32),
        ),
    )(x, W1, degp)


def _tc_mid(acc, g, s, b, W2):
    n = g.shape[0]

    def body(acc_ref, g_ref, s_ref, b_ref, w_ref, out_ref):
        s_ = s_ref[...]
        z = jnp.maximum(
            s_ * (acc_ref[0, :n] + acc_ref[1, :n] + g_ref[...]) + b_ref[...],
            0.0)
        out_ref[...] = jnp.dot(z, w_ref[...],
                               preferred_element_type=jnp.float32) * s_

    return pl.pallas_call(
        body,
        out_shape=jax.ShapeDtypeStruct((n, W2.shape[1]), jnp.float32),
    )(acc, g, s, b, W2)


def _tc_final(acc, g, s, b2, Wd1, bd1, Wout, bout):
    n = g.shape[0]

    def body(acc_ref, g_ref, s_ref, b2_ref, wd1_ref, bd1_ref, wout_ref,
             bout_ref, out_ref):
        z2 = jnp.maximum(
            s_ref[...] * (acc_ref[0, :n] + acc_ref[1, :n] + g_ref[...])
            + b2_ref[...],
            0.0)
        h = jnp.maximum(
            jnp.dot(z2, wd1_ref[...], preferred_element_type=jnp.float32)
            + bd1_ref[...], 0.0)
        out_ref[...] = (
            jnp.dot(h, wout_ref[...], preferred_element_type=jnp.float32)
            + bout_ref[...])

    return pl.pallas_call(
        body,
        out_shape=jax.ShapeDtypeStruct((n, Wout.shape[1]), jnp.float32),
    )(acc, g, s, b2, Wd1, bd1, Wout, bout)


def kernel(x, edge_index, W1, b1, W2, b2, Wd1, bd1, Wout, bout):
    n = x.shape[0]
    n_edges = edge_index.shape[1]
    ch = _chunk_size(n_edges // _NW)
    ei3d = edge_index.astype(jnp.int32).reshape(2, n_edges // ch, ch)
    n_pad = -(-n // (_NS * 8)) * (_NS * 8)
    rpt = n_pad // _NS

    ones_rows = jnp.ones((ch, _DEG_W), jnp.float32)
    degp = _sc_degree(ei3d, ones_rows, jnp.zeros((rpt, _DEG_W), jnp.float32),
                      n_pad)
    g1, s = _tc_prep(x, W1, degp)
    acc1 = _sc_propagate(ei3d, g1, jnp.zeros((rpt, 64), jnp.float32), n_pad)
    g2 = _tc_mid(acc1, g1, s, b1.reshape(1, -1), W2)
    acc2 = _sc_propagate(ei3d, g2, jnp.zeros((rpt, 32), jnp.float32), n_pad)
    return _tc_final(acc2, g2, s, b2.reshape(1, -1), Wd1,
                     bd1.reshape(1, -1), Wout, bout.reshape(1, -1))

# --- scband reference (transcript-rebuilt; emitter-appended) ---
"""Pipeline reference for scband-gcn2-mlp-45509473469000 (READ-ONLY COPY).

The authoritative reference and input builder live on the scoring server;
editing this copy changes nothing except your own understanding.
"""

import jax, jax.numpy as jnp
import numpy as np

N_NODES = 10000


def gcn_conv(x, edge_index, W, b):
    # Faithful PyG GCNConv: lin (no bias) -> gcn_norm with self-loops -> scatter-add -> + bias
    N = x.shape[0]
    loop = jnp.arange(N, dtype=edge_index.dtype)
    src = jnp.concatenate([edge_index[0], loop])
    dst = jnp.concatenate([edge_index[1], loop])
    ew = jnp.ones(src.shape[0], dtype=x.dtype)
    deg = jnp.zeros(N, dtype=x.dtype).at[dst].add(ew)
    deg_inv_sqrt = jnp.where(deg > 0, deg ** -0.5, 0.0)
    norm = deg_inv_sqrt[src] * ew * deg_inv_sqrt[dst]
    h = x @ W
    msg = h[src] * norm[:, None]
    out = jnp.zeros((N, h.shape[1]), dtype=x.dtype).at[dst].add(msg)
    return out + b


def setup_inputs(seed: int = 0) -> dict:
    key = jax.random.key(seed)
    ks = jax.random.split(key, 12)
    x = jax.random.normal(ks[0], (N_NODES, 128), dtype=jnp.float32)
    edge_index = jax.random.randint(ks[1], (2, 320000), 0, N_NODES, dtype=jnp.int64)
    def glorot(k, fan_in, fan_out):
        s = (6.0 / (fan_in + fan_out)) ** 0.5
        return jax.random.uniform(k, (fan_in, fan_out), jnp.float32, -s, s)
    W1 = glorot(ks[2], 128, 64)
    b1 = jnp.zeros((64,), jnp.float32)
    W2 = glorot(ks[3], 64, 32)
    b2 = jnp.zeros((32,), jnp.float32)
    Wd1 = glorot(ks[4], 32, 64)
    bd1 = jax.random.uniform(ks[5], (64,), jnp.float32, -0.1, 0.1)
    Wout = glorot(ks[6], 64, 128)
    bout = jax.random.uniform(ks[7], (128,), jnp.float32, -0.05, 0.05)
    return {"x": x, "edge_index": edge_index, "W1": W1, "b1": b1, "W2": W2, "b2": b2,
            "Wd1": Wd1, "bd1": bd1, "Wout": Wout, "bout": bout}


def reference(x, edge_index, W1, b1, W2, b2, Wd1, bd1, Wout, bout):
    # encoder: GCNConv(128->64) + ReLU, GCNConv(64->32) + ReLU
    z = gcn_conv(x, edge_index, W1, b1)
    z = jax.nn.relu(z)
    z = gcn_conv(z, edge_index, W2, b2)
    z = jax.nn.relu(z)
    # decoder MLP: Linear(32->64) + ReLU, Linear(64->128)
    o = z @ Wd1 + bd1
    o = jax.nn.relu(o)
    o = o @ Wout + bout
    return o

if __name__ == "__main__":
    import jax
    _d = setup_inputs()
    print(jax.jit(kernel)(*tuple(_d.values())))

</pallas_src>

<mosaic_0001>
#map = affine_map<(d0, d1) -> (0, 0, 0)>
#map1 = affine_map<(d0, d1) -> (0, 0)>
module attributes {stable_mosaic.version = 14 : i64} {
  func.func @k(%arg0: i32, %arg1: i32, %arg2: memref<2x2560x125xi32, #tpu.memory_space<hbm>>, %arg3: memref<10000x64xf32, #tpu.memory_space<hbm>>, %arg4: memref<632x64xf32, #tpu.memory_space<hbm>>, %arg5: memref<2x10112x64xf32, #tpu.memory_space<hbm>>, %arg6: memref<80x125xi32, #tpu.memory_space<vmem>>, %arg7: memref<80x125xi32, #tpu.memory_space<vmem>>, %arg8: memref<125x64xf32, #tpu.memory_space<vmem>>, %arg9: memref<125x64xf32, #tpu.memory_space<vmem>>, %arg10: memref<125x64xf32, #tpu.memory_space<vmem>>, %arg11: memref<125x64xf32, #tpu.memory_space<vmem>>, %arg12: memref<125x64xf32, #tpu.memory_space<vmem>>, %arg13: memref<125x64xf32, #tpu.memory_space<vmem>>, %arg14: memref<125x64xf32, #tpu.memory_space<vmem>>, %arg15: memref<125x64xf32, #tpu.memory_space<vmem>>, %arg16: memref<!tpu.dma_semaphore, #tpu.memory_space<semaphore_mem>>, %arg17: memref<!tpu.dma_semaphore, #tpu.memory_space<semaphore_mem>>, %arg18: memref<!tpu.dma_semaphore, #tpu.memory_space<semaphore_mem>>, %arg19: memref<!tpu.dma_semaphore, #tpu.memory_space<semaphore_mem>>, %arg20: memref<!tpu.dma_semaphore, #tpu.memory_space<semaphore_mem>>, %arg21: memref<!tpu.dma_semaphore, #tpu.memory_space<semaphore_mem>>, %arg22: memref<!tpu.dma_semaphore, #tpu.memory_space<semaphore_mem>>, %arg23: memref<!tpu.dma_semaphore, #tpu.memory_space<semaphore_mem>>, %arg24: memref<!tpu.dma_semaphore, #tpu.memory_space<semaphore_mem>>, %arg25: memref<!tpu.dma_semaphore, #tpu.memory_space<semaphore_mem>>, %arg26: memref<!tpu.dma_semaphore, #tpu.memory_space<semaphore_mem>>, %arg27: memref<!tpu.dma_semaphore, #tpu.memory_space<semaphore_mem>>, %arg28: memref<!tpu.dma_semaphore, #tpu.memory_space<semaphore_mem>>, %arg29: memref<!tpu.dma_semaphore, #tpu.memory_space<semaphore_mem>>, %arg30: memref<!tpu.dma_semaphore, #tpu.memory_space<semaphore_mem>>, %arg31: memref<!tpu.dma_semaphore, #tpu.memory_space<semaphore_mem>>, %arg32: memref<10112x64xf32, #tpu.memory_space<vmem_shared>>) attributes {dimension_semantics = [#tpu.dimension_semantics<core_parallel>, #tpu.dimension_semantics<subcore_parallel>], iteration_bounds = array<i64: 2, 16>, scalar_prefetch = 0 : i64, scratch_operands = 27 : i64, tpu.core_type = #tpu.core_type<sc_vector_subcore>, window_params = [{transform_indices = #map}, {transform_indices = #map1}, {transform_indices = #map1}, {transform_indices = #map}]} {
    %mul3A = arith.constant 2 : i32
    %mul3A_0 = arith.muli %arg1, %mul3A : i32
    %add3A = arith.addi %mul3A_0, %arg0 : i32
    %mul3A_1 = arith.constant 632 : i32
    %mul3A_2 = arith.muli %arg1, %mul3A_1 : i32
    "tpu.region"() ({
      %run_scoped3A_68 = tpu.sem_alloc : memref<!tpu.dma_semaphore, #tpu.memory_space<semaphore_mem>>
      %dma_start3A_69 = arith.constant 0 : i32
      %dma_start3A_70 = tpu.memref_slice %arg32[%mul3A_2, %dma_start3A_69] : memref<10112x64xf32, #tpu.memory_space<vmem_shared>> -> memref<632x64xf32, #tpu.memory_space<vmem_shared>>
      tpu.enqueue_dma source(%arg4 : memref<632x64xf32, #tpu.memory_space<hbm>>) target(%dma_start3A_70 : memref<632x64xf32, #tpu.memory_space<vmem_shared>>) target_semaphore(%run_scoped3A_68 : memref<!tpu.dma_semaphore, #tpu.memory_space<semaphore_mem>>)
      %dma_wait3A_71 = arith.constant 0 : i32
      %dma_wait3A_72 = tpu.memref_slice %arg32[%mul3A_2, %dma_wait3A_71] : memref<10112x64xf32, #tpu.memory_space<vmem_shared>> -> memref<632x64xf32, #tpu.memory_space<vmem_shared>>
      tpu.wait_dma2 semaphore(%run_scoped3A_68 : memref<!tpu.dma_semaphore, #tpu.memory_space<semaphore_mem>>) src(%arg4 : memref<632x64xf32, #tpu.memory_space<hbm>>) dst(%dma_wait3A_72 : memref<632x64xf32, #tpu.memory_space<vmem_shared>>)
      tpu.yield
    }) : () -> ()
    %mul3A_3 = arith.constant 80 : i32
    %mul3A_4 = arith.muli %add3A, %mul3A_3 : i32
    %run_scoped3A = arith.constant 0 : i32
    "tpu.region"() ({
      %run_scoped3A_68 = tpu.sem_alloc : memref<!tpu.dma_semaphore, #tpu.memory_space<semaphore_mem>>
      %dma_start3A_69 = arith.constant 0 : i32
      %dma_start3A_70 = tpu.memref_slice %arg2[%run_scoped3A, %mul3A_4, %dma_start3A_69] : memref<2x2560x125xi32, #tpu.memory_space<hbm>> -> memref<1x80x125xi32, #tpu.memory_space<hbm>>
      %dma_start3A_71 = tpu.memref_squeeze %dma_start3A_70 : memref<1x80x125xi32, #tpu.memory_space<hbm>> -> memref<80x125xi32, #tpu.memory_space<hbm>>
      %dma_start3A_72 = arith.constant 0 : i32
      %dma_start3A_73 = tpu.memref_slice %arg2[%run_scoped3A, %mul3A_4, %dma_start3A_72] : memref<2x2560x125xi32, #tpu.memory_space<hbm>> -> memref<1x80x125xi32, #tpu.memory_space<hbm>>
      %dma_start3A_74 = tpu.memref_squeeze %dma_start3A_73 : memref<1x80x125xi32, #tpu.memory_space<hbm>> -> memref<80x125xi32, #tpu.memory_space<hbm>>
      tpu.enqueue_dma source(%dma_start3A_74 : memref<80x125xi32, #tpu.memory_space<hbm>>) target(%arg6 : memref<80x125xi32, #tpu.memory_space<vmem>>) target_semaphore(%run_scoped3A_68 : memref<!tpu.dma_semaphore, #tpu.memory_space<semaphore_mem>>)
      %dma_wait3A_75 = arith.constant 0 : i32
      %dma_wait3A_76 = tpu.memref_slice %arg2[%run_scoped3A, %mul3A_4, %dma_wait3A_75] : memref<2x2560x125xi32, #tpu.memory_space<hbm>> -> memref<1x80x125xi32, #tpu.memory_space<hbm>>
      %dma_wait3A_77 = tpu.memref_squeeze %dma_wait3A_76 : memref<1x80x125xi32, #tpu.memory_space<hbm>> -> memref<80x125xi32, #tpu.memory_space<hbm>>
      %dma_wait3A_78 = arith.constant 0 : i32
      %dma_wait3A_79 = tpu.memref_slice %arg2[%run_scoped3A, %mul3A_4, %dma_wait3A_78] : memref<2x2560x125xi32, #tpu.memory_space<hbm>> -> memref<1x80x125xi32, #tpu.memory_space<hbm>>
      %dma_wait3A_80 = tpu.memref_squeeze %dma_wait3A_79 : memref<1x80x125xi32, #tpu.memory_space<hbm>> -> memref<80x125xi32, #tpu.memory_space<hbm>>
      tpu.wait_dma2 semaphore(%run_scoped3A_68 : memref<!tpu.dma_semaphore, #tpu.memory_space<semaphore_mem>>) src(%dma_wait3A_80 : memref<80x125xi32, #tpu.memory_space<hbm>>) dst(%arg6 : memref<80x125xi32, #tpu.memory_space<vmem>>)
      tpu.yield
    }) : () -> ()
    %mul3A_5 = arith.constant 80 : i32
    %mul3A_6 = arith.muli %add3A, %mul3A_5 : i32
    %run_scoped3A_7 = arith.constant 1 : i32
    "tpu.region"() ({
      %run_scoped3A_68 = tpu.sem_alloc : memref<!tpu.dma_semaphore, #tpu.memory_space<semaphore_mem>>
      %dma_start3A_69 = arith.constant 0 : i32
      %dma_start3A_70 = tpu.memref_slice %arg2[%run_scoped3A_7, %mul3A_6, %dma_start3A_69] : memref<2x2560x125xi32, #tpu.memory_space<hbm>> -> memref<1x80x125xi32, #tpu.memory_space<hbm>>
      %dma_start3A_71 = tpu.memref_squeeze %dma_start3A_70 : memref<1x80x125xi32, #tpu.memory_space<hbm>> -> memref<80x125xi32, #tpu.memory_space<hbm>>
      %dma_start3A_72 = arith.constant 0 : i32
      %dma_start3A_73 = tpu.memref_slice %arg2[%run_scoped3A_7, %mul3A_6, %dma_start3A_72] : memref<2x2560x125xi32, #tpu.memory_space<hbm>> -> memref<1x80x125xi32, #tpu.memory_space<hbm>>
      %dma_start3A_74 = tpu.memref_squeeze %dma_start3A_73 : memref<1x80x125xi32, #tpu.memory_space<hbm>> -> memref<80x125xi32, #tpu.memory_space<hbm>>
      tpu.enqueue_dma source(%dma_start3A_74 : memref<80x125xi32, #tpu.memory_space<hbm>>) target(%arg7 : memref<80x125xi32, #tpu.memory_space<vmem>>) target_semaphore(%run_scoped3A_68 : memref<!tpu.dma_semaphore, #tpu.memory_space<semaphore_mem>>)
      %dma_wait3A_75 = arith.constant 0 : i32
      %dma_wait3A_76 = tpu.memref_slice %arg2[%run_scoped3A_7, %mul3A_6, %dma_wait3A_75] : memref<2x2560x125xi32, #tpu.memory_space<hbm>> -> memref<1x80x125xi32, #tpu.memory_space<hbm>>
      %dma_wait3A_77 = tpu.memref_squeeze %dma_wait3A_76 : memref<1x80x125xi32, #tpu.memory_space<hbm>> -> memref<80x125xi32, #tpu.memory_space<hbm>>
      %dma_wait3A_78 = arith.constant 0 : i32
      %dma_wait3A_79 = tpu.memref_slice %arg2[%run_scoped3A_7, %mul3A_6, %dma_wait3A_78] : memref<2x2560x125xi32, #tpu.memory_space<hbm>> -> memref<1x80x125xi32, #tpu.memory_space<hbm>>
      %dma_wait3A_80 = tpu.memref_squeeze %dma_wait3A_79 : memref<1x80x125xi32, #tpu.memory_space<hbm>> -> memref<80x125xi32, #tpu.memory_space<hbm>>
      tpu.wait_dma2 semaphore(%run_scoped3A_68 : memref<!tpu.dma_semaphore, #tpu.memory_space<semaphore_mem>>) src(%dma_wait3A_80 : memref<80x125xi32, #tpu.memory_space<hbm>>) dst(%arg7 : memref<80x125xi32, #tpu.memory_space<vmem>>)
      tpu.yield
    }) : () -> ()
    %barrier3A = arith.constant 0 : index
    tpu.barrier barrier_id(%barrier3A)
    %dma_start3A = arith.constant 0 : i32
    %dma_start3A_8 = arith.constant 0 : i32
    %dma_start3A_9 = tpu.memref_slice %arg6[%dma_start3A, %dma_start3A_8] : memref<80x125xi32, #tpu.memory_space<vmem>> -> memref<1x125xi32, #tpu.memory_space<vmem>>
    %dma_start3A_10 = tpu.memref_squeeze %dma_start3A_9 : memref<1x125xi32, #tpu.memory_space<vmem>> -> memref<125xi32, #tpu.memory_space<vmem>>
    %dma_start3A_11 = arith.constant 0 : i32
    %dma_start3A_12 = arith.constant 0 : i32
    %dma_start3A_13 = tpu.memref_slice %arg3[%dma_start3A_11, %dma_start3A_12] : memref<10000x64xf32, #tpu.memory_space<hbm>> -> memref<10000x64xf32, #tpu.memory_space<hbm>>
    tpu.enqueue_indirect_dma source(%dma_start3A_13 : memref<10000x64xf32, #tpu.memory_space<hbm>>) target(%arg8 : memref<125x64xf32, #tpu.memory_space<vmem>>) offsets(%dma_start3A_10 : memref<125xi32, #tpu.memory_space<vmem>>) semaphore(%arg16 : memref<!tpu.dma_semaphore, #tpu.memory_space<semaphore_mem>>)
    %dma_start3A_14 = arith.constant 1 : i32
    %dma_start3A_15 = arith.constant 0 : i32
    %dma_start3A_16 = tpu.memref_slice %arg6[%dma_start3A_14, %dma_start3A_15] : memref<80x125xi32, #tpu.memory_space<vmem>> -> memref<1x125xi32, #tpu.memory_space<vmem>>
    %dma_start3A_17 = tpu.memref_squeeze %dma_start3A_16 : memref<1x125xi32, #tpu.memory_space<vmem>> -> memref<125xi32, #tpu.memory_space<vmem>>
    %dma_start3A_18 = arith.constant 0 : i32
    %dma_start3A_19 = arith.constant 0 : i32
    %dma_start3A_20 = tpu.memref_slice %arg3[%dma_start3A_18, %dma_start3A_19] : memref<10000x64xf32, #tpu.memory_space<hbm>> -> memref<10000x64xf32, #tpu.memory_space<hbm>>
    tpu.enqueue_indirect_dma source(%dma_start3A_20 : memref<10000x64xf32, #tpu.memory_space<hbm>>) target(%arg9 : memref<125x64xf32, #tpu.memory_space<vmem>>) offsets(%dma_start3A_17 : memref<125xi32, #tpu.memory_space<vmem>>) semaphore(%arg17 : memref<!tpu.dma_semaphore, #tpu.memory_space<semaphore_mem>>)
    %dma_start3A_21 = arith.constant 2 : i32
    %dma_start3A_22 = arith.constant 0 : i32
    %dma_start3A_23 = tpu.memref_slice %arg6[%dma_start3A_21, %dma_start3A_22] : memref<80x125xi32, #tpu.memory_space<vmem>> -> memref<1x125xi32, #tpu.memory_space<vmem>>
    %dma_start3A_24 = tpu.memref_squeeze %dma_start3A_23 : memref<1x125xi32, #tpu.memory_space<vmem>> -> memref<125xi32, #tpu.memory_space<vmem>>
    %dma_start3A_25 = arith.constant 0 : i32
    %dma_start3A_26 = arith.constant 0 : i32
    %dma_start3A_27 = tpu.memref_slice %arg3[%dma_start3A_25, %dma_start3A_26] : memref<10000x64xf32, #tpu.memory_space<hbm>> -> memref<10000x64xf32, #tpu.memory_space<hbm>>
    tpu.enqueue_indirect_dma source(%dma_start3A_27 : memref<10000x64xf32, #tpu.memory_space<hbm>>) target(%arg10 : memref<125x64xf32, #tpu.memory_space<vmem>>) offsets(%dma_start3A_24 : memref<125xi32, #tpu.memory_space<vmem>>) semaphore(%arg18 : memref<!tpu.dma_semaphore, #tpu.memory_space<semaphore_mem>>)
    %dma_start3A_28 = arith.constant 3 : i32
    %dma_start3A_29 = arith.constant 0 : i32
    %dma_start3A_30 = tpu.memref_slice %arg6[%dma_start3A_28, %dma_start3A_29] : memref<80x125xi32, #tpu.memory_space<vmem>> -> memref<1x125xi32, #tpu.memory_space<vmem>>
    %dma_start3A_31 = tpu.memref_squeeze %dma_start3A_30 : memref<1x125xi32, #tpu.memory_space<vmem>> -> memref<125xi32, #tpu.memory_space<vmem>>
    %dma_start3A_32 = arith.constant 0 : i32
    %dma_start3A_33 = arith.constant 0 : i32
    %dma_start3A_34 = tpu.memref_slice %arg3[%dma_start3A_32, %dma_start3A_33] : memref<10000x64xf32, #tpu.memory_space<hbm>> -> memref<10000x64xf32, #tpu.memory_space<hbm>>
    tpu.enqueue_indirect_dma source(%dma_start3A_34 : memref<10000x64xf32, #tpu.memory_space<hbm>>) target(%arg11 : memref<125x64xf32, #tpu.memory_space<vmem>>) offsets(%dma_start3A_31 : memref<125xi32, #tpu.memory_space<vmem>>) semaphore(%arg19 : memref<!tpu.dma_semaphore, #tpu.memory_space<semaphore_mem>>)
    %scan3A = arith.constant 0 : i32
    %scan3A_35 = arith.constant 0 : i32
    %scan3A_36 = arith.constant 10 : i32
    %scan3A_37 = arith.addi %scan3A_35, %scan3A_36 : i32
    %scan3A_38 = arith.constant 1 : i32
    scf.for %scan3A_68 = %scan3A_35 to %scan3A_37 step %scan3A_38  : i32 {
      %mul3A_69 = arith.constant 8 : i32
      %mul3A_70 = arith.muli %mul3A_69, %scan3A_68 : i32
      %add3A_71 = arith.constant 0 : i32
      %add3A_72 = arith.addi %mul3A_70, %add3A_71 : i32
      %dma_wait3A_73 = arith.constant 0 : i32
      %dma_wait3A_74 = tpu.memref_slice %arg6[%add3A_72, %dma_wait3A_73] : memref<80x125xi32, #tpu.memory_space<vmem>> -> memref<1x125xi32, #tpu.memory_space<vmem>>
      %dma_wait3A_75 = tpu.memref_squeeze %dma_wait3A_74 : memref<1x125xi32, #tpu.memory_space<vmem>> -> memref<125xi32, #tpu.memory_space<vmem>>
      %dma_wait3A_76 = arith.constant 0 : i32
      %dma_wait3A_77 = arith.constant 0 : i32
      %dma_wait3A_78 = tpu.memref_slice %arg3[%dma_wait3A_76, %dma_wait3A_77] : memref<10000x64xf32, #tpu.memory_space<hbm>> -> memref<10000x64xf32, #tpu.memory_space<hbm>>
      tpu.wait_indirect_dma semaphore(%arg16 : memref<!tpu.dma_semaphore, #tpu.memory_space<semaphore_mem>>) src(%dma_wait3A_78 : memref<10000x64xf32, #tpu.memory_space<hbm>>) dst(%arg8 : memref<125x64xf32, #tpu.memory_space<vmem>>)
      %gt3A = arith.constant 0 : i32
      %gt3A_79 = arith.cmpi sgt, %scan3A_68, %gt3A : i32
      %convert_element_type3A = arith.extui %gt3A_79 : i1 to i32
      %cond3A = arith.constant 0 : i32
      %cond3A_80 = arith.cmpi ne, %convert_element_type3A, %cond3A : i32
      scf.if %cond3A_80 {
        %dma_wait3A_289 = arith.constant 0 : i32
        %dma_wait3A_290 = tpu.memref_slice %arg7[%add3A_72, %dma_wait3A_289] : memref<80x125xi32, #tpu.memory_space<vmem>> -> memref<1x125xi32, #tpu.memory_space<vmem>>
        %dma_wait3A_291 = tpu.memref_squeeze %dma_wait3A_290 : memref<1x125xi32, #tpu.memory_space<vmem>> -> memref<125xi32, #tpu.memory_space<vmem>>
        %dma_wait3A_292 = arith.constant 0 : i32
        %dma_wait3A_293 = arith.constant 0 : i32
        %dma_wait3A_294 = tpu.memref_slice %arg32[%dma_wait3A_292, %dma_wait3A_293] : memref<10112x64xf32, #tpu.memory_space<vmem_shared>> -> memref<10112x64xf32, #tpu.memory_space<vmem_shared>>
        tpu.wait_indirect_dma semaphore(%arg28 : memref<!tpu.dma_semaphore, #tpu.memory_space<semaphore_mem>>) src(%arg12 : memref<125x64xf32, #tpu.memory_space<vmem>>) dst(%dma_wait3A_294 : memref<10112x64xf32, #tpu.memory_space<vmem_shared>>)
      } else {
      }
      %add3A_81 = arith.constant 4 : i32
      %add3A_82 = arith.addi %add3A_72, %add3A_81 : i32
      %dma_start3A_83 = arith.constant 0 : i32
      %dma_start3A_84 = tpu.memref_slice %arg6[%add3A_82, %dma_start3A_83] : memref<80x125xi32, #tpu.memory_space<vmem>> -> memref<1x125xi32, #tpu.memory_space<vmem>>
      %dma_start3A_85 = tpu.memref_squeeze %dma_start3A_84 : memref<1x125xi32, #tpu.memory_space<vmem>> -> memref<125xi32, #tpu.memory_space<vmem>>
      %dma_start3A_86 = arith.constant 0 : i32
      %dma_start3A_87 = arith.constant 0 : i32
      %dma_start3A_88 = tpu.memref_slice %arg3[%dma_start3A_86, %dma_start3A_87] : memref<10000x64xf32, #tpu.memory_space<hbm>> -> memref<10000x64xf32, #tpu.memory_space<hbm>>
      tpu.enqueue_indirect_dma source(%dma_start3A_88 : memref<10000x64xf32, #tpu.memory_space<hbm>>) target(%arg12 : memref<125x64xf32, #tpu.memory_space<vmem>>) offsets(%dma_start3A_85 : memref<125xi32, #tpu.memory_space<vmem>>) semaphore(%arg20 : memref<!tpu.dma_semaphore, #tpu.memory_space<semaphore_mem>>)
      %dma_start3A_89 = arith.constant 0 : i32
      %dma_start3A_90 = tpu.memref_slice %arg7[%add3A_72, %dma_start3A_89] : memref<80x125xi32, #tpu.memory_space<vmem>> -> memref<1x125xi32, #tpu.memory_space<vmem>>
      %dma_start3A_91 = tpu.memref_squeeze %dma_start3A_90 : memref<1x125xi32, #tpu.memory_space<vmem>> -> memref<125xi32, #tpu.memory_space<vmem>>
      %dma_start3A_92 = arith.constant 0 : i32
      %dma_start3A_93 = arith.constant 0 : i32
      %dma_start3A_94 = tpu.memref_slice %arg32[%dma_start3A_92, %dma_start3A_93] : memref<10112x64xf32, #tpu.memory_space<vmem_shared>> -> memref<10112x64xf32, #tpu.memory_space<vmem_shared>>
      tpu.enqueue_indirect_dma source(%arg8 : memref<125x64xf32, #tpu.memory_space<vmem>>) target(%dma_start3A_94 : memref<10112x64xf32, #tpu.memory_space<vmem_shared>>) offsets(%dma_start3A_91 : memref<125xi32, #tpu.memory_space<vmem>>) semaphore(%arg24 : memref<!tpu.dma_semaphore, #tpu.memory_space<semaphore_mem>>) {add = true}
      %mul3A_95 = arith.constant 8 : i32
      %mul3A_96 = arith.muli %mul3A_95, %scan3A_68 : i32
      %add3A_97 = arith.constant 1 : i32
      %add3A_98 = arith.addi %mul3A_96, %add3A_97 : i32
      %dma_wait3A_99 = arith.constant 0 : i32
      %dma_wait3A_100 = tpu.memref_slice %arg6[%add3A_98, %dma_wait3A_99] : memref<80x125xi32, #tpu.memory_space<vmem>> -> memref<1x125xi32, #tpu.memory_space<vmem>>
      %dma_wait3A_101 = tpu.memref_squeeze %dma_wait3A_100 : memref<1x125xi32, #tpu.memory_space<vmem>> -> memref<125xi32, #tpu.memory_space<vmem>>
      %dma_wait3A_102 = arith.constant 0 : i32
      %dma_wait3A_103 = arith.constant 0 : i32
      %dma_wait3A_104 = tpu.memref_slice %arg3[%dma_wait3A_102, %dma_wait3A_103] : memref<10000x64xf32, #tpu.memory_space<hbm>> -> memref<10000x64xf32, #tpu.memory_space<hbm>>
      tpu.wait_indirect_dma semaphore(%arg17 : memref<!tpu.dma_semaphore, #tpu.memory_space<semaphore_mem>>) src(%dma_wait3A_104 : memref<10000x64xf32, #tpu.memory_space<hbm>>) dst(%arg9 : memref<125x64xf32, #tpu.memory_space<vmem>>)
      %gt3A_105 = arith.constant 0 : i32
      %gt3A_106 = arith.cmpi sgt, %scan3A_68, %gt3A_105 : i32
      %convert_element_type3A_107 = arith.extui %gt3A_106 : i1 to i32
      %cond3A_108 = arith.constant 0 : i32
      %cond3A_109 = arith.cmpi ne, %convert_element_type3A_107, %cond3A_108 : i32
      scf.if %cond3A_109 {
        %dma_wait3A_289 = arith.constant 0 : i32
        %dma_wait3A_290 = tpu.memref_slice %arg7[%add3A_98, %dma_wait3A_289] : memref<80x125xi32, #tpu.memory_space<vmem>> -> memref<1x125xi32, #tpu.memory_space<vmem>>
        %dma_wait3A_291 = tpu.memref_squeeze %dma_wait3A_290 : memref<1x125xi32, #tpu.memory_space<vmem>> -> memref<125xi32, #tpu.memory_space<vmem>>
        %dma_wait3A_292 = arith.constant 0 : i32
        %dma_wait3A_293 = arith.constant 0 : i32
        %dma_wait3A_294 = tpu.memref_slice %arg32[%dma_wait3A_292, %dma_wait3A_293] : memref<10112x64xf32, #tpu.memory_space<vmem_shared>> -> memref<10112x64xf32, #tpu.memory_space<vmem_shared>>
        tpu.wait_indirect_dma semaphore(%arg29 : memref<!tpu.dma_semaphore, #tpu.memory_space<semaphore_mem>>) src(%arg13 : memref<125x64xf32, #tpu.memory_space<vmem>>) dst(%dma_wait3A_294 : memref<10112x64xf32, #tpu.memory_space<vmem_shared>>)
      } else {
      }
      %add3A_110 = arith.constant 4 : i32
      %add3A_111 = arith.addi %add3A_98, %add3A_110 : i32
      %dma_start3A_112 = arith.constant 0 : i32
      %dma_start3A_113 = tpu.memref_slice %arg6[%add3A_111, %dma_start3A_112] : memref<80x125xi32, #tpu.memory_space<vmem>> -> memref<1x125xi32, #tpu.memory_space<vmem>>
      %dma_start3A_114 = tpu.memref_squeeze %dma_start3A_113 : memref<1x125xi32, #tpu.memory_space<vmem>> -> memref<125xi32, #tpu.memory_space<vmem>>
      %dma_start3A_115 = arith.constant 0 : i32
      %dma_start3A_116 = arith.constant 0 : i32
      %dma_start3A_117 = tpu.memref_slice %arg3[%dma_start3A_115, %dma_start3A_116] : memref<10000x64xf32, #tpu.memory_space<hbm>> -> memref<10000x64xf32, #tpu.memory_space<hbm>>
      tpu.enqueue_indirect_dma source(%dma_start3A_117 : memref<10000x64xf32, #tpu.memory_space<hbm>>) target(%arg13 : memref<125x64xf32, #tpu.memory_space<vmem>>) offsets(%dma_start3A_114 : memref<125xi32, #tpu.memory_space<vmem>>) semaphore(%arg21 : memref<!tpu.dma_semaphore, #tpu.memory_space<semaphore_mem>>)
      %dma_start3A_118 = arith.constant 0 : i32
      %dma_start3A_119 = tpu.memref_slice %arg7[%add3A_98, %dma_start3A_118] : memref<80x125xi32, #tpu.memory_space<vmem>> -> memref<1x125xi32, #tpu.memory_space<vmem>>
      %dma_start3A_120 = tpu.memref_squeeze %dma_start3A_119 : memref<1x125xi32, #tpu.memory_space<vmem>> -> memref<125xi32, #tpu.memory_space<vmem>>
      %dma_start3A_121 = arith.constant 0 : i32
      %dma_start3A_122 = arith.constant 0 : i32
      %dma_start3A_123 = tpu.memref_slice %arg32[%dma_start3A_121, %dma_start3A_122] : memref<10112x64xf32, #tpu.memory_space<vmem_shared>> -> memref<10112x64xf32, #tpu.memory_space<vmem_shared>>
      tpu.enqueue_indirect_dma source(%arg9 : memref<125x64xf32, #tpu.memory_space<vmem>>) target(%dma_start3A_123 : memref<10112x64xf32, #tpu.memory_space<vmem_shared>>) offsets(%dma_start3A_120 : memref<125xi32, #tpu.memory_space<vmem>>) semaphore(%arg25 : memref<!tpu.dma_semaphore, #tpu.memory_space<semaphore_mem>>) {add = true}
      %mul3A_124 = arith.constant 8 : i32
      %mul3A_125 = arith.muli %mul3A_124, %scan3A_68 : i32
      %add3A_126 = arith.constant 2 : i32
      %add3A_127 = arith.addi %mul3A_125, %add3A_126 : i32
      %dma_wait3A_128 = arith.constant 0 : i32
      %dma_wait3A_129 = tpu.memref_slice %arg6[%add3A_127, %dma_wait3A_128] : memref<80x125xi32, #tpu.memory_space<vmem>> -> memref<1x125xi32, #tpu.memory_space<vmem>>
      %dma_wait3A_130 = tpu.memref_squeeze %dma_wait3A_129 : memref<1x125xi32, #tpu.memory_space<vmem>> -> memref<125xi32, #tpu.memory_space<vmem>>
      %dma_wait3A_131 = arith.constant 0 : i32
      %dma_wait3A_132 = arith.constant 0 : i32
      %dma_wait3A_133 = tpu.memref_slice %arg3[%dma_wait3A_131, %dma_wait3A_132] : memref<10000x64xf32, #tpu.memory_space<hbm>> -> memref<10000x64xf32, #tpu.memory_space<hbm>>
      tpu.wait_indirect_dma semaphore(%arg18 : memref<!tpu.dma_semaphore, #tpu.memory_space<semaphore_mem>>) src(%dma_wait3A_133 : memref<10000x64xf32, #tpu.memory_space<hbm>>) dst(%arg10 : memref<125x64xf32, #tpu.memory_space<vmem>>)
      %gt3A_134 = arith.constant 0 : i32
      %gt3A_135 = arith.cmpi sgt, %scan3A_68, %gt3A_134 : i32
      %convert_element_type3A_136 = arith.extui %gt3A_135 : i1 to i32
      %cond3A_137 = arith.constant 0 : i32
      %cond3A_138 = arith.cmpi ne, %convert_element_type3A_136, %cond3A_137 : i32
      scf.if %cond3A_138 {
        %dma_wait3A_289 = arith.constant 0 : i32
        %dma_wait3A_290 = tpu.memref_slice %arg7[%add3A_127, %dma_wait3A_289] : memref<80x125xi32, #tpu.memory_space<vmem>> -> memref<1x125xi32, #tpu.memory_space<vmem>>
        %dma_wait3A_291 = tpu.memref_squeeze %dma_wait3A_290 : memref<1x125xi32, #tpu.memory_space<vmem>> -> memref<125xi32, #tpu.memory_space<vmem>>
        %dma_wait3A_292 = arith.constant 0 : i32
        %dma_wait3A_293 = arith.constant 0 : i32
        %dma_wait3A_294 = tpu.memref_slice %arg32[%dma_wait3A_292, %dma_wait3A_293] : memref<10112x64xf32, #tpu.memory_space<vmem_shared>> -> memref<10112x64xf32, #tpu.memory_space<vmem_shared>>
        tpu.wait_indirect_dma semaphore(%arg30 : memref<!tpu.dma_semaphore, #tpu.memory_space<semaphore_mem>>) src(%arg14 : memref<125x64xf32, #tpu.memory_space<vmem>>) dst(%dma_wait3A_294 : memref<10112x64xf32, #tpu.memory_space<vmem_shared>>)
      } else {
      }
      %add3A_139 = arith.constant 4 : i32
      %add3A_140 = arith.addi %add3A_127, %add3A_139 : i32
      %dma_start3A_141 = arith.constant 0 : i32
      %dma_start3A_142 = tpu.memref_slice %arg6[%add3A_140, %dma_start3A_141] : memref<80x125xi32, #tpu.memory_space<vmem>> -> memref<1x125xi32, #tpu.memory_space<vmem>>
      %dma_start3A_143 = tpu.memref_squeeze %dma_start3A_142 : memref<1x125xi32, #tpu.memory_space<vmem>> -> memref<125xi32, #tpu.memory_space<vmem>>
      %dma_start3A_144 = arith.constant 0 : i32
      %dma_start3A_145 = arith.constant 0 : i32
      %dma_start3A_146 = tpu.memref_slice %arg3[%dma_start3A_144, %dma_start3A_145] : memref<10000x64xf32, #tpu.memory_space<hbm>> -> memref<10000x64xf32, #tpu.memory_space<hbm>>
      tpu.enqueue_indirect_dma source(%dma_start3A_146 : memref<10000x64xf32, #tpu.memory_space<hbm>>) target(%arg14 : memref<125x64xf32, #tpu.memory_space<vmem>>) offsets(%dma_start3A_143 : memref<125xi32, #tpu.memory_space<vmem>>) semaphore(%arg22 : memref<!tpu.dma_semaphore, #tpu.memory_space<semaphore_mem>>)
      %dma_start3A_147 = arith.constant 0 : i32
      %dma_start3A_148 = tpu.memref_slice %arg7[%add3A_127, %dma_start3A_147] : memref<80x125xi32, #tpu.memory_space<vmem>> -> memref<1x125xi32, #tpu.memory_space<vmem>>
      %dma_start3A_149 = tpu.memref_squeeze %dma_start3A_148 : memref<1x125xi32, #tpu.memory_space<vmem>> -> memref<125xi32, #tpu.memory_space<vmem>>
      %dma_start3A_150 = arith.constant 0 : i32
      %dma_start3A_151 = arith.constant 0 : i32
      %dma_start3A_152 = tpu.memref_slice %arg32[%dma_start3A_150, %dma_start3A_151] : memref<10112x64xf32, #tpu.memory_space<vmem_shared>> -> memref<10112x64xf32, #tpu.memory_space<vmem_shared>>
      tpu.enqueue_indirect_dma source(%arg10 : memref<125x64xf32, #tpu.memory_space<vmem>>) target(%dma_start3A_152 : memref<10112x64xf32, #tpu.memory_space<vmem_shared>>) offsets(%dma_start3A_149 : memref<125xi32, #tpu.memory_space<vmem>>) semaphore(%arg26 : memref<!tpu.dma_semaphore, #tpu.memory_space<semaphore_mem>>) {add = true}
      %mul3A_153 = arith.constant 8 : i32
      %mul3A_154 = arith.muli %mul3A_153, %scan3A_68 : i32
      %add3A_155 = arith.constant 3 : i32
      %add3A_156 = arith.addi %mul3A_154, %add3A_155 : i32
      %dma_wait3A_157 = arith.constant 0 : i32
      %dma_wait3A_158 = tpu.memref_slice %arg6[%add3A_156, %dma_wait3A_157] : memref<80x125xi32, #tpu.memory_space<vmem>> -> memref<1x125xi32, #tpu.memory_space<vmem>>
      %dma_wait3A_159 = tpu.memref_squeeze %dma_wait3A_158 : memref<1x125xi32, #tpu.memory_space<vmem>> -> memref<125xi32, #tpu.memory_space<vmem>>
      %dma_wait3A_160 = arith.constant 0 : i32
      %dma_wait3A_161 = arith.constant 0 : i32
      %dma_wait3A_162 = tpu.memref_slice %arg3[%dma_wait3A_160, %dma_wait3A_161] : memref<10000x64xf32, #tpu.memory_space<hbm>> -> memref<10000x64xf32, #tpu.memory_space<hbm>>
      tpu.wait_indirect_dma semaphore(%arg19 : memref<!tpu.dma_semaphore, #tpu.memory_space<semaphore_mem>>) src(%dma_wait3A_162 : memref<10000x64xf32, #tpu.memory_space<hbm>>) dst(%arg11 : memref<125x64xf32, #tpu.memory_space<vmem>>)
      %gt3A_163 = arith.constant 0 : i32
      %gt3A_164 = arith.cmpi sgt, %scan3A_68, %gt3A_163 : i32
      %convert_element_type3A_165 = arith.extui %gt3A_164 : i1 to i32
      %cond3A_166 = arith.constant 0 : i32
      %cond3A_167 = arith.cmpi ne, %convert_element_type3A_165, %cond3A_166 : i32
      scf.if %cond3A_167 {
        %dma_wait3A_289 = arith.constant 0 : i32
        %dma_wait3A_290 = tpu.memref_slice %arg7[%add3A_156, %dma_wait3A_289] : memref<80x125xi32, #tpu.memory_space<vmem>> -> memref<1x125xi32, #tpu.memory_space<vmem>>
        %dma_wait3A_291 = tpu.memref_squeeze %dma_wait3A_290 : memref<1x125xi32, #tpu.memory_space<vmem>> -> memref<125xi32, #tpu.memory_space<vmem>>
        %dma_wait3A_292 = arith.constant 0 : i32
        %dma_wait3A_293 = arith.constant 0 : i32
        %dma_wait3A_294 = tpu.memref_slice %arg32[%dma_wait3A_292, %dma_wait3A_293] : memref<10112x64xf32, #tpu.memory_space<vmem_shared>> -> memref<10112x64xf32, #tpu.memory_space<vmem_shared>>
        tpu.wait_indirect_dma semaphore(%arg31 : memref<!tpu.dma_semaphore, #tpu.memory_space<semaphore_mem>>) src(%arg15 : memref<125x64xf32, #tpu.memory_space<vmem>>) dst(%dma_wait3A_294 : memref<10112x64xf32, #tpu.memory_space<vmem_shared>>)
      } else {
      }
      %add3A_168 = arith.constant 4 : i32
      %add3A_169 = arith.addi %add3A_156, %add3A_168 : i32
      %dma_start3A_170 = arith.constant 0 : i32
      %dma_start3A_171 = tpu.memref_slice %arg6[%add3A_169, %dma_start3A_170] : memref<80x125xi32, #tpu.memory_space<vmem>> -> memref<1x125xi32, #tpu.memory_space<vmem>>
      %dma_start3A_172 = tpu.memref_squeeze %dma_start3A_171 : memref<1x125xi32, #tpu.memory_space<vmem>> -> memref<125xi32, #tpu.memory_space<vmem>>
      %dma_start3A_173 = arith.constant 0 : i32
      %dma_start3A_174 = arith.constant 0 : i32
      %dma_start3A_175 = tpu.memref_slice %arg3[%dma_start3A_173, %dma_start3A_174] : memref<10000x64xf32, #tpu.memory_space<hbm>> -> memref<10000x64xf32, #tpu.memory_space<hbm>>
      tpu.enqueue_indirect_dma source(%dma_start3A_175 : memref<10000x64xf32, #tpu.memory_space<hbm>>) target(%arg15 : memref<125x64xf32, #tpu.memory_space<vmem>>) offsets(%dma_start3A_172 : memref<125xi32, #tpu.memory_space<vmem>>) semaphore(%arg23 : memref<!tpu.dma_semaphore, #tpu.memory_space<semaphore_mem>>)
      %dma_start3A_176 = arith.constant 0 : i32
      %dma_start3A_177 = tpu.memref_slice %arg7[%add3A_156, %dma_start3A_176] : memref<80x125xi32, #tpu.memory_space<vmem>> -> memref<1x125xi32, #tpu.memory_space<vmem>>
      %dma_start3A_178 = tpu.memref_squeeze %dma_start3A_177 : memref<1x125xi32, #tpu.memory_space<vmem>> -> memref<125xi32, #tpu.memory_space<vmem>>
      %dma_start3A_179 = arith.constant 0 : i32
      %dma_start3A_180 = arith.constant 0 : i32
      %dma_start3A_181 = tpu.memref_slice %arg32[%dma_start3A_179, %dma_start3A_180] : memref<10112x64xf32, #tpu.memory_space<vmem_shared>> -> memref<10112x64xf32, #tpu.memory_space<vmem_shared>>
      tpu.enqueue_indirect_dma source(%arg11 : memref<125x64xf32, #tpu.memory_space<vmem>>) target(%dma_start3A_181 : memref<10112x64xf32, #tpu.memory_space<vmem_shared>>) offsets(%dma_start3A_178 : memref<125xi32, #tpu.memory_space<vmem>>) semaphore(%arg27 : memref<!tpu.dma_semaphore, #tpu.memory_space<semaphore_mem>>) {add = true}
      %mul3A_182 = arith.constant 8 : i32
      %mul3A_183 = arith.muli %mul3A_182, %scan3A_68 : i32
      %add3A_184 = arith.constant 4 : i32
      %add3A_185 = arith.addi %mul3A_183, %add3A_184 : i32
      %dma_wait3A_186 = arith.constant 0 : i32
      %dma_wait3A_187 = tpu.memref_slice %arg6[%add3A_185, %dma_wait3A_186] : memref<80x125xi32, #tpu.memory_space<vmem>> -> memref<1x125xi32, #tpu.memory_space<vmem>>
      %dma_wait3A_188 = tpu.memref_squeeze %dma_wait3A_187 : memref<1x125xi32, #tpu.memory_space<vmem>> -> memref<125xi32, #tpu.memory_space<vmem>>
      %dma_wait3A_189 = arith.constant 0 : i32
      %dma_wait3A_190 = arith.constant 0 : i32
      %dma_wait3A_191 = tpu.memref_slice %arg3[%dma_wait3A_189, %dma_wait3A_190] : memref<10000x64xf32, #tpu.memory_space<hbm>> -> memref<10000x64xf32, #tpu.memory_space<hbm>>
      tpu.wait_indirect_dma semaphore(%arg20 : memref<!tpu.dma_semaphore, #tpu.memory_space<semaphore_mem>>) src(%dma_wait3A_191 : memref<10000x64xf32, #tpu.memory_space<hbm>>) dst(%arg12 : memref<125x64xf32, #tpu.memory_space<vmem>>)
      %dma_wait3A_192 = arith.constant 0 : i32
      %dma_wait3A_193 = tpu.memref_slice %arg7[%add3A_185, %dma_wait3A_192] : memref<80x125xi32, #tpu.memory_space<vmem>> -> memref<1x125xi32, #tpu.memory_space<vmem>>
      %dma_wait3A_194 = tpu.memref_squeeze %dma_wait3A_193 : memref<1x125xi32, #tpu.memory_space<vmem>> -> memref<125xi32, #tpu.memory_space<vmem>>
      %dma_wait3A_195 = arith.constant 0 : i32
      %dma_wait3A_196 = arith.constant 0 : i32
      %dma_wait3A_197 = tpu.memref_slice %arg32[%dma_wait3A_195, %dma_wait3A_196] : memref<10112x64xf32, #tpu.memory_space<vmem_shared>> -> memref<10112x64xf32, #tpu.memory_space<vmem_shared>>
      tpu.wait_indirect_dma semaphore(%arg24 : memref<!tpu.dma_semaphore, #tpu.memory_space<semaphore_mem>>) src(%arg8 : memref<125x64xf32, #tpu.memory_space<vmem>>) dst(%dma_wait3A_197 : memref<10112x64xf32, #tpu.memory_space<vmem_shared>>)
      %lt3A = arith.constant 9 : i32
      %lt3A_198 = arith.cmpi slt, %scan3A_68, %lt3A : i32
      %convert_element_type3A_199 = arith.extui %lt3A_198 : i1 to i32
      %cond3A_200 = arith.constant 0 : i32
      %cond3A_201 = arith.cmpi ne, %convert_element_type3A_199, %cond3A_200 : i32
      scf.if %cond3A_201 {
        %add3A_289 = arith.constant 4 : i32
        %add3A_290 = arith.addi %add3A_185, %add3A_289 : i32
        %dma_start3A_291 = arith.constant 0 : i32
        %dma_start3A_292 = tpu.memref_slice %arg6[%add3A_290, %dma_start3A_291] : memref<80x125xi32, #tpu.memory_space<vmem>> -> memref<1x125xi32, #tpu.memory_space<vmem>>
        %dma_start3A_293 = tpu.memref_squeeze %dma_start3A_292 : memref<1x125xi32, #tpu.memory_space<vmem>> -> memref<125xi32, #tpu.memory_space<vmem>>
        %dma_start3A_294 = arith.constant 0 : i32
        %dma_start3A_295 = arith.constant 0 : i32
        %dma_start3A_296 = tpu.memref_slice %arg3[%dma_start3A_294, %dma_start3A_295] : memref<10000x64xf32, #tpu.memory_space<hbm>> -> memref<10000x64xf32, #tpu.memory_space<hbm>>
        tpu.enqueue_indirect_dma source(%dma_start3A_296 : memref<10000x64xf32, #tpu.memory_space<hbm>>) target(%arg8 : memref<125x64xf32, #tpu.memory_space<vmem>>) offsets(%dma_start3A_293 : memref<125xi32, #tpu.memory_space<vmem>>) semaphore(%arg16 : memref<!tpu.dma_semaphore, #tpu.memory_space<semaphore_mem>>)
      } else {
      }
      %dma_start3A_202 = arith.constant 0 : i32
      %dma_start3A_203 = tpu.memref_slice %arg7[%add3A_185, %dma_start3A_202] : memref<80x125xi32, #tpu.memory_space<vmem>> -> memref<1x125xi32, #tpu.memory_space<vmem>>
      %dma_start3A_204 = tpu.memref_squeeze %dma_start3A_203 : memref<1x125xi32, #tpu.memory_space<vmem>> -> memref<125xi32, #tpu.memory_space<vmem>>
      %dma_start3A_205 = arith.constant 0 : i32
      %dma_start3A_206 = arith.constant 0 : i32
      %dma_start3A_207 = tpu.memref_slice %arg32[%dma_start3A_205, %dma_start3A_206] : memref<10112x64xf32, #tpu.memory_space<vmem_shared>> -> memref<10112x64xf32, #tpu.memory_space<vmem_shared>>
      tpu.enqueue_indirect_dma source(%arg12 : memref<125x64xf32, #tpu.memory_space<vmem>>) target(%dma_start3A_207 : memref<10112x64xf32, #tpu.memory_space<vmem_shared>>) offsets(%dma_start3A_204 : memref<125xi32, #tpu.memory_space<vmem>>) semaphore(%arg28 : memref<!tpu.dma_semaphore, #tpu.memory_space<semaphore_mem>>) {add = true}
      %mul3A_208 = arith.constant 8 : i32
      %mul3A_209 = arith.muli %mul3A_208, %scan3A_68 : i32
      %add3A_210 = arith.constant 5 : i32
      %add3A_211 = arith.addi %mul3A_209, %add3A_210 : i32
      %dma_wait3A_212 = arith.constant 0 : i32
      %dma_wait3A_213 = tpu.memref_slice %arg6[%add3A_211, %dma_wait3A_212] : memref<80x125xi32, #tpu.memory_space<vmem>> -> memref<1x125xi32, #tpu.memory_space<vmem>>
      %dma_wait3A_214 = tpu.memref_squeeze %dma_wait3A_213 : memref<1x125xi32, #tpu.memory_space<vmem>> -> memref<125xi32, #tpu.memory_space<vmem>>
      %dma_wait3A_215 = arith.constant 0 : i32
      %dma_wait3A_216 = arith.constant 0 : i32
      %dma_wait3A_217 = tpu.memref_slice %arg3[%dma_wait3A_215, %dma_wait3A_216] : memref<10000x64xf32, #tpu.memory_space<hbm>> -> memref<10000x64xf32, #tpu.memory_space<hbm>>
      tpu.wait_indirect_dma semaphore(%arg21 : memref<!tpu.dma_semaphore, #tpu.memory_space<semaphore_mem>>) src(%dma_wait3A_217 : memref<10000x64xf32, #tpu.memory_space<hbm>>) dst(%arg13 : memref<125x64xf32, #tpu.memory_space<vmem>>)
      %dma_wait3A_218 = arith.constant 0 : i32
      %dma_wait3A_219 = tpu.memref_slice %arg7[%add3A_211, %dma_wait3A_218] : memref<80x125xi32, #tpu.memory_space<vmem>> -> memref<1x125xi32, #tpu.memory_space<vmem>>
      %dma_wait3A_220 = tpu.memref_squeeze %dma_wait3A_219 : memref<1x125xi32, #tpu.memory_space<vmem>> -> memref<125xi32, #tpu.memory_space<vmem>>
      %dma_wait3A_221 = arith.constant 0 : i32
      %dma_wait3A_222 = arith.constant 0 : i32
      %dma_wait3A_223 = tpu.memref_slice %arg32[%dma_wait3A_221, %dma_wait3A_222] : memref<10112x64xf32, #tpu.memory_space<vmem_shared>> -> memref<10112x64xf32, #tpu.memory_space<vmem_shared>>
      tpu.wait_indirect_dma semaphore(%arg25 : memref<!tpu.dma_semaphore, #tpu.memory_space<semaphore_mem>>) src(%arg9 : memref<125x64xf32, #tpu.memory_space<vmem>>) dst(%dma_wait3A_223 : memref<10112x64xf32, #tpu.memory_space<vmem_shared>>)
      %lt3A_224 = arith.constant 9 : i32
      %lt3A_225 = arith.cmpi slt, %scan3A_68, %lt3A_224 : i32
      %convert_element_type3A_226 = arith.extui %lt3A_225 : i1 to i32
      %cond3A_227 = arith.constant 0 : i32
      %cond3A_228 = arith.cmpi ne, %convert_element_type3A_226, %cond3A_227 : i32
      scf.if %cond3A_228 {
        %add3A_289 = arith.constant 4 : i32
        %add3A_290 = arith.addi %add3A_211, %add3A_289 : i32
        %dma_start3A_291 = arith.constant 0 : i32
        %dma_start3A_292 = tpu.memref_slice %arg6[%add3A_290, %dma_start3A_291] : memref<80x125xi32, #tpu.memory_space<vmem>> -> memref<1x125xi32, #tpu.memory_space<vmem>>
        %dma_start3A_293 = tpu.memref_squeeze %dma_start3A_292 : memref<1x125xi32, #tpu.memory_space<vmem>> -> memref<125xi32, #tpu.memory_space<vmem>>
        %dma_start3A_294 = arith.constant 0 : i32
        %dma_start3A_295 = arith.constant 0 : i32
        %dma_start3A_296 = tpu.memref_slice %arg3[%dma_start3A_294, %dma_start3A_295] : memref<10000x64xf32, #tpu.memory_space<hbm>> -> memref<10000x64xf32, #tpu.memory_space<hbm>>
        tpu.enqueue_indirect_dma source(%dma_start3A_296 : memref<10000x64xf32, #tpu.memory_space<hbm>>) target(%arg9 : memref<125x64xf32, #tpu.memory_space<vmem>>) offsets(%dma_start3A_293 : memref<125xi32, #tpu.memory_space<vmem>>) semaphore(%arg17 : memref<!tpu.dma_semaphore, #tpu.memory_space<semaphore_mem>>)
      } else {
      }
      %dma_start3A_229 = arith.constant 0 : i32
      %dma_start3A_230 = tpu.memref_slice %arg7[%add3A_211, %dma_start3A_229] : memref<80x125xi32, #tpu.memory_space<vmem>> -> memref<1x125xi32, #tpu.memory_space<vmem>>
      %dma_start3A_231 = tpu.memref_squeeze %dma_start3A_230 : memref<1x125xi32, #tpu.memory_space<vmem>> -> memref<125xi32, #tpu.memory_space<vmem>>
      %dma_start3A_232 = arith.constant 0 : i32
      %dma_start3A_233 = arith.constant 0 : i32
      %dma_start3A_234 = tpu.memref_slice %arg32[%dma_start3A_232, %dma_start3A_233] : memref<10112x64xf32, #tpu.memory_space<vmem_shared>> -> memref<10112x64xf32, #tpu.memory_space<vmem_shared>>
      tpu.enqueue_indirect_dma source(%arg13 : memref<125x64xf32, #tpu.memory_space<vmem>>) target(%dma_start3A_234 : memref<10112x64xf32, #tpu.memory_space<vmem_shared>>) offsets(%dma_start3A_231 : memref<125xi32, #tpu.memory_space<vmem>>) semaphore(%arg29 : memref<!tpu.dma_semaphore, #tpu.memory_space<semaphore_mem>>) {add = true}
      %mul3A_235 = arith.constant 8 : i32
      %mul3A_236 = arith.muli %mul3A_235, %scan3A_68 : i32
      %add3A_237 = arith.constant 6 : i32
      %add3A_238 = arith.addi %mul3A_236, %add3A_237 : i32
      %dma_wait3A_239 = arith.constant 0 : i32
      %dma_wait3A_240 = tpu.memref_slice %arg6[%add3A_238, %dma_wait3A_239] : memref<80x125xi32, #tpu.memory_space<vmem>> -> memref<1x125xi32, #tpu.memory_space<vmem>>
      %dma_wait3A_241 = tpu.memref_squeeze %dma_wait3A_240 : memref<1x125xi32, #tpu.memory_space<vmem>> -> memref<125xi32, #tpu.memory_space<vmem>>
      %dma_wait3A_242 = arith.constant 0 : i32
      %dma_wait3A_243 = arith.constant 0 : i32
      %dma_wait3A_244 = tpu.memref_slice %arg3[%dma_wait3A_242, %dma_wait3A_243] : memref<10000x64xf32, #tpu.memory_space<hbm>> -> memref<10000x64xf32, #tpu.memory_space<hbm>>
      tpu.wait_indirect_dma semaphore(%arg22 : memref<!tpu.dma_semaphore, #tpu.memory_space<semaphore_mem>>) src(%dma_wait3A_244 : memref<10000x64xf32, #tpu.memory_space<hbm>>) dst(%arg14 : memref<125x64xf32, #tpu.memory_space<vmem>>)
      %dma_wait3A_245 = arith.constant 0 : i32
      %dma_wait3A_246 = tpu.memref_slice %arg7[%add3A_238, %dma_wait3A_245] : memref<80x125xi32, #tpu.memory_space<vmem>> -> memref<1x125xi32, #tpu.memory_space<vmem>>
      %dma_wait3A_247 = tpu.memref_squeeze %dma_wait3A_246 : memref<1x125xi32, #tpu.memory_space<vmem>> -> memref<125xi32, #tpu.memory_space<vmem>>
      %dma_wait3A_248 = arith.constant 0 : i32
      %dma_wait3A_249 = arith.constant 0 : i32
      %dma_wait3A_250 = tpu.memref_slice %arg32[%dma_wait3A_248, %dma_wait3A_249] : memref<10112x64xf32, #tpu.memory_space<vmem_shared>> -> memref<10112x64xf32, #tpu.memory_space<vmem_shared>>
      tpu.wait_indirect_dma semaphore(%arg26 : memref<!tpu.dma_semaphore, #tpu.memory_space<semaphore_mem>>) src(%arg10 : memref<125x64xf32, #tpu.memory_space<vmem>>) dst(%dma_wait3A_250 : memref<10112x64xf32, #tpu.memory_space<vmem_shared>>)
      %lt3A_251 = arith.constant 9 : i32
      %lt3A_252 = arith.cmpi slt, %scan3A_68, %lt3A_251 : i32
      %convert_element_type3A_253 = arith.extui %lt3A_252 : i1 to i32
      %cond3A_254 = arith.constant 0 : i32
      %cond3A_255 = arith.cmpi ne, %convert_element_type3A_253, %cond3A_254 : i32
      scf.if %cond3A_255 {
        %add3A_289 = arith.constant 4 : i32
        %add3A_290 = arith.addi %add3A_238, %add3A_289 : i32
        %dma_start3A_291 = arith.constant 0 : i32
        %dma_start3A_292 = tpu.memref_slice %arg6[%add3A_290, %dma_start3A_291] : memref<80x125xi32, #tpu.memory_space<vmem>> -> memref<1x125xi32, #tpu.memory_space<vmem>>
        %dma_start3A_293 = tpu.memref_squeeze %dma_start3A_292 : memref<1x125xi32, #tpu.memory_space<vmem>> -> memref<125xi32, #tpu.memory_space<vmem>>
        %dma_start3A_294 = arith.constant 0 : i32
        %dma_start3A_295 = arith.constant 0 : i32
        %dma_start3A_296 = tpu.memref_slice %arg3[%dma_start3A_294, %dma_start3A_295] : memref<10000x64xf32, #tpu.memory_space<hbm>> -> memref<10000x64xf32, #tpu.memory_space<hbm>>
        tpu.enqueue_indirect_dma source(%dma_start3A_296 : memref<10000x64xf32, #tpu.memory_space<hbm>>) target(%arg10 : memref<125x64xf32, #tpu.memory_space<vmem>>) offsets(%dma_start3A_293 : memref<125xi32, #tpu.memory_space<vmem>>) semaphore(%arg18 : memref<!tpu.dma_semaphore, #tpu.memory_space<semaphore_mem>>)
      } else {
      }
      %dma_start3A_256 = arith.constant 0 : i32
      %dma_start3A_257 = tpu.memref_slice %arg7[%add3A_238, %dma_start3A_256] : memref<80x125xi32, #tpu.memory_space<vmem>> -> memref<1x125xi32, #tpu.memory_space<vmem>>
      %dma_start3A_258 = tpu.memref_squeeze %dma_start3A_257 : memref<1x125xi32, #tpu.memory_space<vmem>> -> memref<125xi32, #tpu.memory_space<vmem>>
      %dma_start3A_259 = arith.constant 0 : i32
      %dma_start3A_260 = arith.constant 0 : i32
      %dma_start3A_261 = tpu.memref_slice %arg32[%dma_start3A_259, %dma_start3A_260] : memref<10112x64xf32, #tpu.memory_space<vmem_shared>> -> memref<10112x64xf32, #tpu.memory_space<vmem_shared>>
      tpu.enqueue_indirect_dma source(%arg14 : memref<125x64xf32, #tpu.memory_space<vmem>>) target(%dma_start3A_261 : memref<10112x64xf32, #tpu.memory_space<vmem_shared>>) offsets(%dma_start3A_258 : memref<125xi32, #tpu.memory_space<vmem>>) semaphore(%arg30 : memref<!tpu.dma_semaphore, #tpu.memory_space<semaphore_mem>>) {add = true}
      %mul3A_262 = arith.constant 8 : i32
      %mul3A_263 = arith.muli %mul3A_262, %scan3A_68 : i32
      %add3A_264 = arith.constant 7 : i32
      %add3A_265 = arith.addi %mul3A_263, %add3A_264 : i32
      %dma_wait3A_266 = arith.constant 0 : i32
      %dma_wait3A_267 = tpu.memref_slice %arg6[%add3A_265, %dma_wait3A_266] : memref<80x125xi32, #tpu.memory_space<vmem>> -> memref<1x125xi32, #tpu.memory_space<vmem>>
      %dma_wait3A_268 = tpu.memref_squeeze %dma_wait3A_267 : memref<1x125xi32, #tpu.memory_space<vmem>> -> memref<125xi32, #tpu.memory_space<vmem>>
      %dma_wait3A_269 = arith.constant 0 : i32
      %dma_wait3A_270 = arith.constant 0 : i32
      %dma_wait3A_271 = tpu.memref_slice %arg3[%dma_wait3A_269, %dma_wait3A_270] : memref<10000x64xf32, #tpu.memory_space<hbm>> -> memref<10000x64xf32, #tpu.memory_space<hbm>>
      tpu.wait_indirect_dma semaphore(%arg23 : memref<!tpu.dma_semaphore, #tpu.memory_space<semaphore_mem>>) src(%dma_wait3A_271 : memref<10000x64xf32, #tpu.memory_space<hbm>>) dst(%arg15 : memref<125x64xf32, #tpu.memory_space<vmem>>)
      %dma_wait3A_272 = arith.constant 0 : i32
      %dma_wait3A_273 = tpu.memref_slice %arg7[%add3A_265, %dma_wait3A_272] : memref<80x125xi32, #tpu.memory_space<vmem>> -> memref<1x125xi32, #tpu.memory_space<vmem>>
      %dma_wait3A_274 = tpu.memref_squeeze %dma_wait3A_273 : memref<1x125xi32, #tpu.memory_space<vmem>> -> memref<125xi32, #tpu.memory_space<vmem>>
      %dma_wait3A_275 = arith.constant 0 : i32
      %dma_wait3A_276 = arith.constant 0 : i32
      %dma_wait3A_277 = tpu.memref_slice %arg32[%dma_wait3A_275, %dma_wait3A_276] : memref<10112x64xf32, #tpu.memory_space<vmem_shared>> -> memref<10112x64xf32, #tpu.memory_space<vmem_shared>>
      tpu.wait_indirect_dma semaphore(%arg27 : memref<!tpu.dma_semaphore, #tpu.memory_space<semaphore_mem>>) src(%arg11 : memref<125x64xf32, #tpu.memory_space<vmem>>) dst(%dma_wait3A_277 : memref<10112x64xf32, #tpu.memory_space<vmem_shared>>)
      %lt3A_278 = arith.constant 9 : i32
      %lt3A_279 = arith.cmpi slt, %scan3A_68, %lt3A_278 : i32
      %convert_element_type3A_280 = arith.extui %lt3A_279 : i1 to i32
      %cond3A_281 = arith.constant 0 : i32
      %cond3A_282 = arith.cmpi ne, %convert_element_type3A_280, %cond3A_281 : i32
      scf.if %cond3A_282 {
        %add3A_289 = arith.constant 4 : i32
        %add3A_290 = arith.addi %add3A_265, %add3A_289 : i32
        %dma_start3A_291 = arith.constant 0 : i32
        %dma_start3A_292 = tpu.memref_slice %arg6[%add3A_290, %dma_start3A_291] : memref<80x125xi32, #tpu.memory_space<vmem>> -> memref<1x125xi32, #tpu.memory_space<vmem>>
        %dma_start3A_293 = tpu.memref_squeeze %dma_start3A_292 : memref<1x125xi32, #tpu.memory_space<vmem>> -> memref<125xi32, #tpu.memory_space<vmem>>
        %dma_start3A_294 = arith.constant 0 : i32
        %dma_start3A_295 = arith.constant 0 : i32
        %dma_start3A_296 = tpu.memref_slice %arg3[%dma_start3A_294, %dma_start3A_295] : memref<10000x64xf32, #tpu.memory_space<hbm>> -> memref<10000x64xf32, #tpu.memory_space<hbm>>
        tpu.enqueue_indirect_dma source(%dma_start3A_296 : memref<10000x64xf32, #tpu.memory_space<hbm>>) target(%arg11 : memref<125x64xf32, #tpu.memory_space<vmem>>) offsets(%dma_start3A_293 : memref<125xi32, #tpu.memory_space<vmem>>) semaphore(%arg19 : memref<!tpu.dma_semaphore, #tpu.memory_space<semaphore_mem>>)
      } else {
      }
      %dma_start3A_283 = arith.constant 0 : i32
      %dma_start3A_284 = tpu.memref_slice %arg7[%add3A_265, %dma_start3A_283] : memref<80x125xi32, #tpu.memory_space<vmem>> -> memref<1x125xi32, #tpu.memory_space<vmem>>
      %dma_start3A_285 = tpu.memref_squeeze %dma_start3A_284 : memref<1x125xi32, #tpu.memory_space<vmem>> -> memref<125xi32, #tpu.memory_space<vmem>>
      %dma_start3A_286 = arith.constant 0 : i32
      %dma_start3A_287 = arith.constant 0 : i32
      %dma_start3A_288 = tpu.memref_slice %arg32[%dma_start3A_286, %dma_start3A_287] : memref<10112x64xf32, #tpu.memory_space<vmem_shared>> -> memref<10112x64xf32, #tpu.memory_space<vmem_shared>>
      tpu.enqueue_indirect_dma source(%arg15 : memref<125x64xf32, #tpu.memory_space<vmem>>) target(%dma_start3A_288 : memref<10112x64xf32, #tpu.memory_space<vmem_shared>>) offsets(%dma_start3A_285 : memref<125xi32, #tpu.memory_space<vmem>>) semaphore(%arg31 : memref<!tpu.dma_semaphore, #tpu.memory_space<semaphore_mem>>) {add = true}
    }
    %scan3A_39 = arith.constant 10 : i32
    %dma_wait3A = arith.constant 0 : i32
    %dma_wait3A_40 = arith.constant 0 : i32
    %dma_wait3A_41 = tpu.memref_slice %arg7[%dma_wait3A, %dma_wait3A_40] : memref<80x125xi32, #tpu.memory_space<vmem>> -> memref<1x125xi32, #tpu.memory_space<vmem>>
    %dma_wait3A_42 = tpu.memref_squeeze %dma_wait3A_41 : memref<1x125xi32, #tpu.memory_space<vmem>> -> memref<125xi32, #tpu.memory_space<vmem>>
    %dma_wait3A_43 = arith.constant 0 : i32
    %dma_wait3A_44 = arith.constant 0 : i32
    %dma_wait3A_45 = tpu.memref_slice %arg32[%dma_wait3A_43, %dma_wait3A_44] : memref<10112x64xf32, #tpu.memory_space<vmem_shared>> -> memref<10112x64xf32, #tpu.memory_space<vmem_shared>>
    tpu.wait_indirect_dma semaphore(%arg28 : memref<!tpu.dma_semaphore, #tpu.memory_space<semaphore_mem>>) src(%arg12 : memref<125x64xf32, #tpu.memory_space<vmem>>) dst(%dma_wait3A_45 : memref<10112x64xf32, #tpu.memory_space<vmem_shared>>)
    %dma_wait3A_46 = arith.constant 0 : i32
    %dma_wait3A_47 = arith.constant 0 : i32
    %dma_wait3A_48 = tpu.memref_slice %arg7[%dma_wait3A_46, %dma_wait3A_47] : memref<80x125xi32, #tpu.memory_space<vmem>> -> memref<1x125xi32, #tpu.memory_space<vmem>>
    %dma_wait3A_49 = tpu.memref_squeeze %dma_wait3A_48 : memref<1x125xi32, #tpu.memory_space<vmem>> -> memref<125xi32, #tpu.memory_space<vmem>>
    %dma_wait3A_50 = arith.constant 0 : i32
    %dma_wait3A_51 = arith.constant 0 : i32
    %dma_wait3A_52 = tpu.memref_slice %arg32[%dma_wait3A_50, %dma_wait3A_51] : memref<10112x64xf32, #tpu.memory_space<vmem_shared>> -> memref<10112x64xf32, #tpu.memory_space<vmem_shared>>
    tpu.wait_indirect_dma semaphore(%arg29 : memref<!tpu.dma_semaphore, #tpu.memory_space<semaphore_mem>>) src(%arg13 : memref<125x64xf32, #tpu.memory_space<vmem>>) dst(%dma_wait3A_52 : memref<10112x64xf32, #tpu.memory_space<vmem_shared>>)
    %dma_wait3A_53 = arith.constant 0 : i32
    %dma_wait3A_54 = arith.constant 0 : i32
    %dma_wait3A_55 = tpu.memref_slice %arg7[%dma_wait3A_53, %dma_wait3A_54] : memref<80x125xi32, #tpu.memory_space<vmem>> -> memref<1x125xi32, #tpu.memory_space<vmem>>
    %dma_wait3A_56 = tpu.memref_squeeze %dma_wait3A_55 : memref<1x125xi32, #tpu.memory_space<vmem>> -> memref<125xi32, #tpu.memory_space<vmem>>
    %dma_wait3A_57 = arith.constant 0 : i32
    %dma_wait3A_58 = arith.constant 0 : i32
    %dma_wait3A_59 = tpu.memref_slice %arg32[%dma_wait3A_57, %dma_wait3A_58] : memref<10112x64xf32, #tpu.memory_space<vmem_shared>> -> memref<10112x64xf32, #tpu.memory_space<vmem_shared>>
    tpu.wait_indirect_dma semaphore(%arg30 : memref<!tpu.dma_semaphore, #tpu.memory_space<semaphore_mem>>) src(%arg14 : memref<125x64xf32, #tpu.memory_space<vmem>>) dst(%dma_wait3A_59 : memref<10112x64xf32, #tpu.memory_space<vmem_shared>>)
    %dma_wait3A_60 = arith.constant 0 : i32
    %dma_wait3A_61 = arith.constant 0 : i32
    %dma_wait3A_62 = tpu.memref_slice %arg7[%dma_wait3A_60, %dma_wait3A_61] : memref<80x125xi32, #tpu.memory_space<vmem>> -> memref<1x125xi32, #tpu.memory_space<vmem>>
    %dma_wait3A_63 = tpu.memref_squeeze %dma_wait3A_62 : memref<1x125xi32, #tpu.memory_space<vmem>> -> memref<125xi32, #tpu.memory_space<vmem>>
    %dma_wait3A_64 = arith.constant 0 : i32
    %dma_wait3A_65 = arith.constant 0 : i32
    %dma_wait3A_66 = tpu.memref_slice %arg32[%dma_wait3A_64, %dma_wait3A_65] : memref<10112x64xf32, #tpu.memory_space<vmem_shared>> -> memref<10112x64xf32, #tpu.memory_space<vmem_shared>>
    tpu.wait_indirect_dma semaphore(%arg31 : memref<!tpu.dma_semaphore, #tpu.memory_space<semaphore_mem>>) src(%arg15 : memref<125x64xf32, #tpu.memory_space<vmem>>) dst(%dma_wait3A_66 : memref<10112x64xf32, #tpu.memory_space<vmem_shared>>)
    %barrier3A_67 = arith.constant 0 : index
    tpu.barrier barrier_id(%barrier3A_67)
    "tpu.region"() ({
      %run_scoped3A_68 = tpu.sem_alloc : memref<!tpu.dma_semaphore, #tpu.memory_space<semaphore_mem>>
      %dma_start3A_69 = arith.constant 0 : i32
      %dma_start3A_70 = tpu.memref_slice %arg5[%arg0, %mul3A_2, %dma_start3A_69] : memref<2x10112x64xf32, #tpu.memory_space<hbm>> -> memref<1x632x64xf32, #tpu.memory_space<hbm>>
      %dma_start3A_71 = tpu.memref_squeeze %dma_start3A_70 : memref<1x632x64xf32, #tpu.memory_space<hbm>> -> memref<632x64xf32, #tpu.memory_space<hbm>>
      %dma_start3A_72 = arith.constant 0 : i32
      %dma_start3A_73 = tpu.memref_slice %arg32[%mul3A_2, %dma_start3A_72] : memref<10112x64xf32, #tpu.memory_space<vmem_shared>> -> memref<632x64xf32, #tpu.memory_space<vmem_shared>>
      tpu.enqueue_dma source(%dma_start3A_73 : memref<632x64xf32, #tpu.memory_space<vmem_shared>>) target(%dma_start3A_71 : memref<632x64xf32, #tpu.memory_space<hbm>>) target_semaphore(%run_scoped3A_68 : memref<!tpu.dma_semaphore, #tpu.memory_space<semaphore_mem>>)
      %dma_wait3A_74 = arith.constant 0 : i32
      %dma_wait3A_75 = tpu.memref_slice %arg5[%arg0, %mul3A_2, %dma_wait3A_74] : memref<2x10112x64xf32, #tpu.memory_space<hbm>> -> memref<1x632x64xf32, #tpu.memory_space<hbm>>
      %dma_wait3A_76 = tpu.memref_squeeze %dma_wait3A_75 : memref<1x632x64xf32, #tpu.memory_space<hbm>> -> memref<632x64xf32, #tpu.memory_space<hbm>>
      %dma_wait3A_77 = arith.constant 0 : i32
      %dma_wait3A_78 = tpu.memref_slice %arg32[%mul3A_2, %dma_wait3A_77] : memref<10112x64xf32, #tpu.memory_space<vmem_shared>> -> memref<632x64xf32, #tpu.memory_space<vmem_shared>>
      tpu.wait_dma2 semaphore(%run_scoped3A_68 : memref<!tpu.dma_semaphore, #tpu.memory_space<semaphore_mem>>) src(%dma_wait3A_78 : memref<632x64xf32, #tpu.memory_space<vmem_shared>>) dst(%dma_wait3A_76 : memref<632x64xf32, #tpu.memory_space<hbm>>)
      tpu.yield
    }) : () -> ()
    return
  }
}

#map = affine_map<(d0, d1) -> (0, 0, 0)>
#map1 = affine_map<(d0, d1) -> (0, 0)>
module attributes {stable_mosaic.version = 14 : i64} {
  func.func @k(%arg0: i32, %arg1: i32, %arg2: memref<2x2560x125xi32, #tpu.memory_space<hbm>>, %arg3: memref<125x16xf32, #tpu.memory_space<hbm>>, %arg4: memref<632x16xf32, #tpu.memory_space<hbm>>, %arg5: memref<2x10112x16xf32, #tpu.memory_space<hbm>>, %arg6: memref<80x125xi32, #tpu.memory_space<vmem>>, %arg7: memref<125x16xf32, #tpu.memory_space<vmem>>, %arg8: memref<632x16xf32, #tpu.memory_space<vmem>>, %arg9: memref<10112x16xf32, #tpu.memory_space<vmem_shared>>, %arg10: memref<!tpu.dma_semaphore, #tpu.memory_space<semaphore_mem>>) attributes {dimension_semantics = [#tpu.dimension_semantics<core_parallel>, #tpu.dimension_semantics<subcore_parallel>], iteration_bounds = array<i64: 2, 16>, scalar_prefetch = 0 : i64, scratch_operands = 5 : i64, tpu.core_type = #tpu.core_type<sc_vector_subcore>, window_params = [{transform_indices = #map}, {transform_indices = #map1}, {transform_indices = #map1}, {transform_indices = #map}]} {
    %mul3A = arith.constant 2 : i32
    %mul3A_0 = arith.muli %arg1, %mul3A : i32
    %add3A = arith.addi %mul3A_0, %arg0 : i32
    %mul3A_1 = arith.constant 632 : i32
    %mul3A_2 = arith.muli %arg1, %mul3A_1 : i32
    "tpu.region"() ({
      %run_scoped3A_23 = tpu.sem_alloc : memref<!tpu.dma_semaphore, #tpu.memory_space<semaphore_mem>>
      %dma_start3A_24 = arith.constant 0 : i32
      %dma_start3A_25 = tpu.memref_slice %arg9[%mul3A_2, %dma_start3A_24] : memref<10112x16xf32, #tpu.memory_space<vmem_shared>> -> memref<632x16xf32, #tpu.memory_space<vmem_shared>>
      tpu.enqueue_dma source(%arg4 : memref<632x16xf32, #tpu.memory_space<hbm>>) target(%dma_start3A_25 : memref<632x16xf32, #tpu.memory_space<vmem_shared>>) target_semaphore(%run_scoped3A_23 : memref<!tpu.dma_semaphore, #tpu.memory_space<semaphore_mem>>)
      %dma_wait3A_26 = arith.constant 0 : i32
      %dma_wait3A_27 = tpu.memref_slice %arg9[%mul3A_2, %dma_wait3A_26] : memref<10112x16xf32, #tpu.memory_space<vmem_shared>> -> memref<632x16xf32, #tpu.memory_space<vmem_shared>>
      tpu.wait_dma2 semaphore(%run_scoped3A_23 : memref<!tpu.dma_semaphore, #tpu.memory_space<semaphore_mem>>) src(%arg4 : memref<632x16xf32, #tpu.memory_space<hbm>>) dst(%dma_wait3A_27 : memref<632x16xf32, #tpu.memory_space<vmem_shared>>)
      tpu.yield
    }) : () -> ()
    "tpu.region"() ({
      %run_scoped3A_23 = tpu.sem_alloc : memref<!tpu.dma_semaphore, #tpu.memory_space<semaphore_mem>>
      tpu.enqueue_dma source(%arg3 : memref<125x16xf32, #tpu.memory_space<hbm>>) target(%arg7 : memref<125x16xf32, #tpu.memory_space<vmem>>) target_semaphore(%run_scoped3A_23 : memref<!tpu.dma_semaphore, #tpu.memory_space<semaphore_mem>>)
      tpu.wait_dma2 semaphore(%run_scoped3A_23 : memref<!tpu.dma_semaphore, #tpu.memory_space<semaphore_mem>>) src(%arg3 : memref<125x16xf32, #tpu.memory_space<hbm>>) dst(%arg7 : memref<125x16xf32, #tpu.memory_space<vmem>>)
      tpu.yield
    }) : () -> ()
    %mul3A_3 = arith.constant 80 : i32
    %mul3A_4 = arith.muli %add3A, %mul3A_3 : i32
    %run_scoped3A = arith.constant 1 : i32
    "tpu.region"() ({
      %run_scoped3A_23 = tpu.sem_alloc : memref<!tpu.dma_semaphore, #tpu.memory_space<semaphore_mem>>
      %dma_start3A_24 = arith.constant 0 : i32
      %dma_start3A_25 = tpu.memref_slice %arg2[%run_scoped3A, %mul3A_4, %dma_start3A_24] : memref<2x2560x125xi32, #tpu.memory_space<hbm>> -> memref<1x80x125xi32, #tpu.memory_space<hbm>>
      %dma_start3A_26 = tpu.memref_squeeze %dma_start3A_25 : memref<1x80x125xi32, #tpu.memory_space<hbm>> -> memref<80x125xi32, #tpu.memory_space<hbm>>
      %dma_start3A_27 = arith.constant 0 : i32
      %dma_start3A_28 = tpu.memref_slice %arg2[%run_scoped3A, %mul3A_4, %dma_start3A_27] : memref<2x2560x125xi32, #tpu.memory_space<hbm>> -> memref<1x80x125xi32, #tpu.memory_space<hbm>>
      %dma_start3A_29 = tpu.memref_squeeze %dma_start3A_28 : memref<1x80x125xi32, #tpu.memory_space<hbm>> -> memref<80x125xi32, #tpu.memory_space<hbm>>
      tpu.enqueue_dma source(%dma_start3A_29 : memref<80x125xi32, #tpu.memory_space<hbm>>) target(%arg6 : memref<80x125xi32, #tpu.memory_space<vmem>>) target_semaphore(%run_scoped3A_23 : memref<!tpu.dma_semaphore, #tpu.memory_space<semaphore_mem>>)
      %dma_wait3A_30 = arith.constant 0 : i32
      %dma_wait3A_31 = tpu.memref_slice %arg2[%run_scoped3A, %mul3A_4, %dma_wait3A_30] : memref<2x2560x125xi32, #tpu.memory_space<hbm>> -> memref<1x80x125xi32, #tpu.memory_space<hbm>>
      %dma_wait3A_32 = tpu.memref_squeeze %dma_wait3A_31 : memref<1x80x125xi32, #tpu.memory_space<hbm>> -> memref<80x125xi32, #tpu.memory_space<hbm>>
      %dma_wait3A_33 = arith.constant 0 : i32
      %dma_wait3A_34 = tpu.memref_slice %arg2[%run_scoped3A, %mul3A_4, %dma_wait3A_33] : memref<2x2560x125xi32, #tpu.memory_space<hbm>> -> memref<1x80x125xi32, #tpu.memory_space<hbm>>
      %dma_wait3A_35 = tpu.memref_squeeze %dma_wait3A_34 : memref<1x80x125xi32, #tpu.memory_space<hbm>> -> memref<80x125xi32, #tpu.memory_space<hbm>>
      tpu.wait_dma2 semaphore(%run_scoped3A_23 : memref<!tpu.dma_semaphore, #tpu.memory_space<semaphore_mem>>) src(%dma_wait3A_35 : memref<80x125xi32, #tpu.memory_space<hbm>>) dst(%arg6 : memref<80x125xi32, #tpu.memory_space<vmem>>)
      tpu.yield
    }) : () -> ()
    %barrier3A = arith.constant 0 : index
    tpu.barrier barrier_id(%barrier3A)
    %dma_start3A = arith.constant 0 : i32
    %dma_start3A_5 = arith.constant 0 : i32
    %dma_start3A_6 = tpu.memref_slice %arg6[%dma_start3A, %dma_start3A_5] : memref<80x125xi32, #tpu.memory_space<vmem>> -> memref<1x125xi32, #tpu.memory_space<vmem>>
    %dma_start3A_7 = tpu.memref_squeeze %dma_start3A_6 : memref<1x125xi32, #tpu.memory_space<vmem>> -> memref<125xi32, #tpu.memory_space<vmem>>
    %dma_start3A_8 = arith.constant 0 : i32
    %dma_start3A_9 = arith.constant 0 : i32
    %dma_start3A_10 = tpu.memref_slice %arg9[%dma_start3A_8, %dma_start3A_9] : memref<10112x16xf32, #tpu.memory_space<vmem_shared>> -> memref<10112x16xf32, #tpu.memory_space<vmem_shared>>
    tpu.enqueue_indirect_dma source(%arg7 : memref<125x16xf32, #tpu.memory_space<vmem>>) target(%dma_start3A_10 : memref<10112x16xf32, #tpu.memory_space<vmem_shared>>) offsets(%dma_start3A_7 : memref<125xi32, #tpu.memory_space<vmem>>) semaphore(%arg10 : memref<!tpu.dma_semaphore, #tpu.memory_space<semaphore_mem>>) {add = true}
    %scan3A = arith.constant 0 : i32
    %scan3A_11 = arith.constant 0 : i32
    %scan3A_12 = arith.constant 79 : i32
    %scan3A_13 = arith.addi %scan3A_11, %scan3A_12 : i32
    %scan3A_14 = arith.constant 1 : i32
    scf.for %scan3A_23 = %scan3A_11 to %scan3A_13 step %scan3A_14  : i32 {
      %add3A_24 = arith.constant 1 : i32
      %add3A_25 = arith.addi %scan3A_23, %add3A_24 : i32
      %dma_start3A_26 = arith.constant 0 : i32
      %dma_start3A_27 = tpu.memref_slice %arg6[%add3A_25, %dma_start3A_26] : memref<80x125xi32, #tpu.memory_space<vmem>> -> memref<1x125xi32, #tpu.memory_space<vmem>>
      %dma_start3A_28 = tpu.memref_squeeze %dma_start3A_27 : memref<1x125xi32, #tpu.memory_space<vmem>> -> memref<125xi32, #tpu.memory_space<vmem>>
      %dma_start3A_29 = arith.constant 0 : i32
      %dma_start3A_30 = arith.constant 0 : i32
      %dma_start3A_31 = tpu.memref_slice %arg9[%dma_start3A_29, %dma_start3A_30] : memref<10112x16xf32, #tpu.memory_space<vmem_shared>> -> memref<10112x16xf32, #tpu.memory_space<vmem_shared>>
      tpu.enqueue_indirect_dma source(%arg7 : memref<125x16xf32, #tpu.memory_space<vmem>>) target(%dma_start3A_31 : memref<10112x16xf32, #tpu.memory_space<vmem_shared>>) offsets(%dma_start3A_28 : memref<125xi32, #tpu.memory_space<vmem>>) semaphore(%arg10 : memref<!tpu.dma_semaphore, #tpu.memory_space<semaphore_mem>>) {add = true}
      %dma_wait3A_32 = arith.constant 0 : i32
      %dma_wait3A_33 = tpu.memref_slice %arg6[%scan3A_23, %dma_wait3A_32] : memref<80x125xi32, #tpu.memory_space<vmem>> -> memref<1x125xi32, #tpu.memory_space<vmem>>
      %dma_wait3A_34 = tpu.memref_squeeze %dma_wait3A_33 : memref<1x125xi32, #tpu.memory_space<vmem>> -> memref<125xi32, #tpu.memory_space<vmem>>
      %dma_wait3A_35 = arith.constant 0 : i32
      %dma_wait3A_36 = arith.constant 0 : i32
      %dma_wait3A_37 = tpu.memref_slice %arg9[%dma_wait3A_35, %dma_wait3A_36] : memref<10112x16xf32, #tpu.memory_space<vmem_shared>> -> memref<10112x16xf32, #tpu.memory_space<vmem_shared>>
      tpu.wait_indirect_dma semaphore(%arg10 : memref<!tpu.dma_semaphore, #tpu.memory_space<semaphore_mem>>) src(%arg7 : memref<125x16xf32, #tpu.memory_space<vmem>>) dst(%dma_wait3A_37 : memref<10112x16xf32, #tpu.memory_space<vmem_shared>>)
    }
    %scan3A_15 = arith.constant 79 : i32
    %dma_wait3A = arith.constant 0 : i32
    %dma_wait3A_16 = arith.constant 0 : i32
    %dma_wait3A_17 = tpu.memref_slice %arg6[%dma_wait3A, %dma_wait3A_16] : memref<80x125xi32, #tpu.memory_space<vmem>> -> memref<1x125xi32, #tpu.memory_space<vmem>>
    %dma_wait3A_18 = tpu.memref_squeeze %dma_wait3A_17 : memref<1x125xi32, #tpu.memory_space<vmem>> -> memref<125xi32, #tpu.memory_space<vmem>>
    %dma_wait3A_19 = arith.constant 0 : i32
    %dma_wait3A_20 = arith.constant 0 : i32
    %dma_wait3A_21 = tpu.memref_slice %arg9[%dma_wait3A_19, %dma_wait3A_20] : memref<10112x16xf32, #tpu.memory_space<vmem_shared>> -> memref<10112x16xf32, #tpu.memory_space<vmem_shared>>
    tpu.wait_indirect_dma semaphore(%arg10 : memref<!tpu.dma_semaphore, #tpu.memory_space<semaphore_mem>>) src(%arg7 : memref<125x16xf32, #tpu.memory_space<vmem>>) dst(%dma_wait3A_21 : memref<10112x16xf32, #tpu.memory_space<vmem_shared>>)
    %barrier3A_22 = arith.constant 0 : index
    tpu.barrier barrier_id(%barrier3A_22)
    "tpu.region"() ({
      %run_scoped3A_23 = tpu.sem_alloc : memref<!tpu.dma_semaphore, #tpu.memory_space<semaphore_mem>>
      %dma_start3A_24 = arith.constant 0 : i32
      %dma_start3A_25 = tpu.memref_slice %arg9[%mul3A_2, %dma_start3A_24] : memref<10112x16xf32, #tpu.memory_space<vmem_shared>> -> memref<632x16xf32, #tpu.memory_space<vmem_shared>>
      %dma_start3A_26 = arith.constant 0 : i32
      %dma_start3A_27 = tpu.memref_slice %arg9[%mul3A_2, %dma_start3A_26] : memref<10112x16xf32, #tpu.memory_space<vmem_shared>> -> memref<632x16xf32, #tpu.memory_space<vmem_shared>>
      tpu.enqueue_dma source(%dma_start3A_27 : memref<632x16xf32, #tpu.memory_space<vmem_shared>>) target(%arg8 : memref<632x16xf32, #tpu.memory_space<vmem>>) target_semaphore(%run_scoped3A_23 : memref<!tpu.dma_semaphore, #tpu.memory_space<semaphore_mem>>)
      %dma_wait3A_28 = arith.constant 0 : i32
      %dma_wait3A_29 = tpu.memref_slice %arg9[%mul3A_2, %dma_wait3A_28] : memref<10112x16xf32, #tpu.memory_space<vmem_shared>> -> memref<632x16xf32, #tpu.memory_space<vmem_shared>>
      %dma_wait3A_30 = arith.constant 0 : i32
      %dma_wait3A_31 = tpu.memref_slice %arg9[%mul3A_2, %dma_wait3A_30] : memref<10112x16xf32, #tpu.memory_space<vmem_shared>> -> memref<632x16xf32, #tpu.memory_space<vmem_shared>>
      tpu.wait_dma2 semaphore(%run_scoped3A_23 : memref<!tpu.dma_semaphore, #tpu.memory_space<semaphore_mem>>) src(%dma_wait3A_31 : memref<632x16xf32, #tpu.memory_space<vmem_shared>>) dst(%arg8 : memref<632x16xf32, #tpu.memory_space<vmem>>)
      tpu.yield
    }) : () -> ()
    "tpu.region"() ({
      %run_scoped3A_23 = tpu.sem_alloc : memref<!tpu.dma_semaphore, #tpu.memory_space<semaphore_mem>>
      %dma_start3A_24 = arith.constant 0 : i32
      %dma_start3A_25 = tpu.memref_slice %arg5[%arg0, %mul3A_2, %dma_start3A_24] : memref<2x10112x16xf32, #tpu.memory_space<hbm>> -> memref<1x632x16xf32, #tpu.memory_space<hbm>>
      %dma_start3A_26 = tpu.memref_squeeze %dma_start3A_25 : memref<1x632x16xf32, #tpu.memory_space<hbm>> -> memref<632x16xf32, #tpu.memory_space<hbm>>
      %dma_start3A_27 = arith.constant 0 : i32
      %dma_start3A_28 = tpu.memref_slice %arg5[%arg0, %mul3A_2, %dma_start3A_27] : memref<2x10112x16xf32, #tpu.memory_space<hbm>> -> memref<1x632x16xf32, #tpu.memory_space<hbm>>
      %dma_start3A_29 = tpu.memref_squeeze %dma_start3A_28 : memref<1x632x16xf32, #tpu.memory_space<hbm>> -> memref<632x16xf32, #tpu.memory_space<hbm>>
      tpu.enqueue_dma source(%arg8 : memref<632x16xf32, #tpu.memory_space<vmem>>) target(%dma_start3A_29 : memref<632x16xf32, #tpu.memory_space<hbm>>) target_semaphore(%run_scoped3A_23 : memref<!tpu.dma_semaphore, #tpu.memory_space<semaphore_mem>>)
      %dma_wait3A_30 = arith.constant 0 : i32
      %dma_wait3A_31 = tpu.memref_slice %arg5[%arg0, %mul3A_2, %dma_wait3A_30] : memref<2x10112x16xf32, #tpu.memory_space<hbm>> -> memref<1x632x16xf32, #tpu.memory_space<hbm>>
      %dma_wait3A_32 = tpu.memref_squeeze %dma_wait3A_31 : memref<1x632x16xf32, #tpu.memory_space<hbm>> -> memref<632x16xf32, #tpu.memory_space<hbm>>
      %dma_wait3A_33 = arith.constant 0 : i32
      %dma_wait3A_34 = tpu.memref_slice %arg5[%arg0, %mul3A_2, %dma_wait3A_33] : memref<2x10112x16xf32, #tpu.memory_space<hbm>> -> memref<1x632x16xf32, #tpu.memory_space<hbm>>
      %dma_wait3A_35 = tpu.memref_squeeze %dma_wait3A_34 : memref<1x632x16xf32, #tpu.memory_space<hbm>> -> memref<632x16xf32, #tpu.memory_space<hbm>>
      tpu.wait_dma2 semaphore(%run_scoped3A_23 : memref<!tpu.dma_semaphore, #tpu.memory_space<semaphore_mem>>) src(%arg8 : memref<632x16xf32, #tpu.memory_space<vmem>>) dst(%dma_wait3A_35 : memref<632x16xf32, #tpu.memory_space<hbm>>)
      tpu.yield
    }) : () -> ()
    return
  }
}

#map = affine_map<(d0, d1) -> (0, 0, 0)>
#map1 = affine_map<(d0, d1) -> (0, 0)>
module attributes {stable_mosaic.version = 14 : i64} {
  func.func @k(%arg0: i32, %arg1: i32, %arg2: memref<2x2560x125xi32, #tpu.memory_space<hbm>>, %arg3: memref<10000x32xf32, #tpu.memory_space<hbm>>, %arg4: memref<632x32xf32, #tpu.memory_space<hbm>>, %arg5: memref<2x10112x32xf32, #tpu.memory_space<hbm>>, %arg6: memref<80x125xi32, #tpu.memory_space<vmem>>, %arg7: memref<80x125xi32, #tpu.memory_space<vmem>>, %arg8: memref<125x32xf32, #tpu.memory_space<vmem>>, %arg9: memref<125x32xf32, #tpu.memory_space<vmem>>, %arg10: memref<125x32xf32, #tpu.memory_space<vmem>>, %arg11: memref<125x32xf32, #tpu.memory_space<vmem>>, %arg12: memref<125x32xf32, #tpu.memory_space<vmem>>, %arg13: memref<125x32xf32, #tpu.memory_space<vmem>>, %arg14: memref<125x32xf32, #tpu.memory_space<vmem>>, %arg15: memref<125x32xf32, #tpu.memory_space<vmem>>, %arg16: memref<!tpu.dma_semaphore, #tpu.memory_space<semaphore_mem>>, %arg17: memref<!tpu.dma_semaphore, #tpu.memory_space<semaphore_mem>>, %arg18: memref<!tpu.dma_semaphore, #tpu.memory_space<semaphore_mem>>, %arg19: memref<!tpu.dma_semaphore, #tpu.memory_space<semaphore_mem>>, %arg20: memref<!tpu.dma_semaphore, #tpu.memory_space<semaphore_mem>>, %arg21: memref<!tpu.dma_semaphore, #tpu.memory_space<semaphore_mem>>, %arg22: memref<!tpu.dma_semaphore, #tpu.memory_space<semaphore_mem>>, %arg23: memref<!tpu.dma_semaphore, #tpu.memory_space<semaphore_mem>>, %arg24: memref<!tpu.dma_semaphore, #tpu.memory_space<semaphore_mem>>, %arg25: memref<!tpu.dma_semaphore, #tpu.memory_space<semaphore_mem>>, %arg26: memref<!tpu.dma_semaphore, #tpu.memory_space<semaphore_mem>>, %arg27: memref<!tpu.dma_semaphore, #tpu.memory_space<semaphore_mem>>, %arg28: memref<!tpu.dma_semaphore, #tpu.memory_space<semaphore_mem>>, %arg29: memref<!tpu.dma_semaphore, #tpu.memory_space<semaphore_mem>>, %arg30: memref<!tpu.dma_semaphore, #tpu.memory_space<semaphore_mem>>, %arg31: memref<!tpu.dma_semaphore, #tpu.memory_space<semaphore_mem>>, %arg32: memref<10112x32xf32, #tpu.memory_space<vmem_shared>>) attributes {dimension_semantics = [#tpu.dimension_semantics<core_parallel>, #tpu.dimension_semantics<subcore_parallel>], iteration_bounds = array<i64: 2, 16>, scalar_prefetch = 0 : i64, scratch_operands = 27 : i64, tpu.core_type = #tpu.core_type<sc_vector_subcore>, window_params = [{transform_indices = #map}, {transform_indices = #map1}, {transform_indices = #map1}, {transform_indices = #map}]} {
    %mul3A = arith.constant 2 : i32
    %mul3A_0 = arith.muli %arg1, %mul3A : i32
    %add3A = arith.addi %mul3A_0, %arg0 : i32
    %mul3A_1 = arith.constant 632 : i32
    %mul3A_2 = arith.muli %arg1, %mul3A_1 : i32
    "tpu.region"() ({
      %run_scoped3A_68 = tpu.sem_alloc : memref<!tpu.dma_semaphore, #tpu.memory_space<semaphore_mem>>
      %dma_start3A_69 = arith.constant 0 : i32
      %dma_start3A_70 = tpu.memref_slice %arg32[%mul3A_2, %dma_start3A_69] : memref<10112x32xf32, #tpu.memory_space<vmem_shared>> -> memref<632x32xf32, #tpu.memory_space<vmem_shared>>
      tpu.enqueue_dma source(%arg4 : memref<632x32xf32, #tpu.memory_space<hbm>>) target(%dma_start3A_70 : memref<632x32xf32, #tpu.memory_space<vmem_shared>>) target_semaphore(%run_scoped3A_68 : memref<!tpu.dma_semaphore, #tpu.memory_space<semaphore_mem>>)
      %dma_wait3A_71 = arith.constant 0 : i32
      %dma_wait3A_72 = tpu.memref_slice %arg32[%mul3A_2, %dma_wait3A_71] : memref<10112x32xf32, #tpu.memory_space<vmem_shared>> -> memref<632x32xf32, #tpu.memory_space<vmem_shared>>
      tpu.wait_dma2 semaphore(%run_scoped3A_68 : memref<!tpu.dma_semaphore, #tpu.memory_space<semaphore_mem>>) src(%arg4 : memref<632x32xf32, #tpu.memory_space<hbm>>) dst(%dma_wait3A_72 : memref<632x32xf32, #tpu.memory_space<vmem_shared>>)
      tpu.yield
    }) : () -> ()
    %mul3A_3 = arith.constant 80 : i32
    %mul3A_4 = arith.muli %add3A, %mul3A_3 : i32
    %run_scoped3A = arith.constant 0 : i32
    "tpu.region"() ({
      %run_scoped3A_68 = tpu.sem_alloc : memref<!tpu.dma_semaphore, #tpu.memory_space<semaphore_mem>>
      %dma_start3A_69 = arith.constant 0 : i32
      %dma_start3A_70 = tpu.memref_slice %arg2[%run_scoped3A, %mul3A_4, %dma_start3A_69] : memref<2x2560x125xi32, #tpu.memory_space<hbm>> -> memref<1x80x125xi32, #tpu.memory_space<hbm>>
      %dma_start3A_71 = tpu.memref_squeeze %dma_start3A_70 : memref<1x80x125xi32, #tpu.memory_space<hbm>> -> memref<80x125xi32, #tpu.memory_space<hbm>>
      %dma_start3A_72 = arith.constant 0 : i32
      %dma_start3A_73 = tpu.memref_slice %arg2[%run_scoped3A, %mul3A_4, %dma_start3A_72] : memref<2x2560x125xi32, #tpu.memory_space<hbm>> -> memref<1x80x125xi32, #tpu.memory_space<hbm>>
      %dma_start3A_74 = tpu.memref_squeeze %dma_start3A_73 : memref<1x80x125xi32, #tpu.memory_space<hbm>> -> memref<80x125xi32, #tpu.memory_space<hbm>>
      tpu.enqueue_dma source(%dma_start3A_74 : memref<80x125xi32, #tpu.memory_space<hbm>>) target(%arg6 : memref<80x125xi32, #tpu.memory_space<vmem>>) target_semaphore(%run_scoped3A_68 : memref<!tpu.dma_semaphore, #tpu.memory_space<semaphore_mem>>)
      %dma_wait3A_75 = arith.constant 0 : i32
      %dma_wait3A_76 = tpu.memref_slice %arg2[%run_scoped3A, %mul3A_4, %dma_wait3A_75] : memref<2x2560x125xi32, #tpu.memory_space<hbm>> -> memref<1x80x125xi32, #tpu.memory_space<hbm>>
      %dma_wait3A_77 = tpu.memref_squeeze %dma_wait3A_76 : memref<1x80x125xi32, #tpu.memory_space<hbm>> -> memref<80x125xi32, #tpu.memory_space<hbm>>
      %dma_wait3A_78 = arith.constant 0 : i32
      %dma_wait3A_79 = tpu.memref_slice %arg2[%run_scoped3A, %mul3A_4, %dma_wait3A_78] : memref<2x2560x125xi32, #tpu.memory_space<hbm>> -> memref<1x80x125xi32, #tpu.memory_space<hbm>>
      %dma_wait3A_80 = tpu.memref_squeeze %dma_wait3A_79 : memref<1x80x125xi32, #tpu.memory_space<hbm>> -> memref<80x125xi32, #tpu.memory_space<hbm>>
      tpu.wait_dma2 semaphore(%run_scoped3A_68 : memref<!tpu.dma_semaphore, #tpu.memory_space<semaphore_mem>>) src(%dma_wait3A_80 : memref<80x125xi32, #tpu.memory_space<hbm>>) dst(%arg6 : memref<80x125xi32, #tpu.memory_space<vmem>>)
      tpu.yield
    }) : () -> ()
    %mul3A_5 = arith.constant 80 : i32
    %mul3A_6 = arith.muli %add3A, %mul3A_5 : i32
    %run_scoped3A_7 = arith.constant 1 : i32
    "tpu.region"() ({
      %run_scoped3A_68 = tpu.sem_alloc : memref<!tpu.dma_semaphore, #tpu.memory_space<semaphore_mem>>
      %dma_start3A_69 = arith.constant 0 : i32
      %dma_start3A_70 = tpu.memref_slice %arg2[%run_scoped3A_7, %mul3A_6, %dma_start3A_69] : memref<2x2560x125xi32, #tpu.memory_space<hbm>> -> memref<1x80x125xi32, #tpu.memory_space<hbm>>
      %dma_start3A_71 = tpu.memref_squeeze %dma_start3A_70 : memref<1x80x125xi32, #tpu.memory_space<hbm>> -> memref<80x125xi32, #tpu.memory_space<hbm>>
      %dma_start3A_72 = arith.constant 0 : i32
      %dma_start3A_73 = tpu.memref_slice %arg2[%run_scoped3A_7, %mul3A_6, %dma_start3A_72] : memref<2x2560x125xi32, #tpu.memory_space<hbm>> -> memref<1x80x125xi32, #tpu.memory_space<hbm>>
      %dma_start3A_74 = tpu.memref_squeeze %dma_start3A_73 : memref<1x80x125xi32, #tpu.memory_space<hbm>> -> memref<80x125xi32, #tpu.memory_space<hbm>>
      tpu.enqueue_dma source(%dma_start3A_74 : memref<80x125xi32, #tpu.memory_space<hbm>>) target(%arg7 : memref<80x125xi32, #tpu.memory_space<vmem>>) target_semaphore(%run_scoped3A_68 : memref<!tpu.dma_semaphore, #tpu.memory_space<semaphore_mem>>)
      %dma_wait3A_75 = arith.constant 0 : i32
      %dma_wait3A_76 = tpu.memref_slice %arg2[%run_scoped3A_7, %mul3A_6, %dma_wait3A_75] : memref<2x2560x125xi32, #tpu.memory_space<hbm>> -> memref<1x80x125xi32, #tpu.memory_space<hbm>>
      %dma_wait3A_77 = tpu.memref_squeeze %dma_wait3A_76 : memref<1x80x125xi32, #tpu.memory_space<hbm>> -> memref<80x125xi32, #tpu.memory_space<hbm>>
      %dma_wait3A_78 = arith.constant 0 : i32
      %dma_wait3A_79 = tpu.memref_slice %arg2[%run_scoped3A_7, %mul3A_6, %dma_wait3A_78] : memref<2x2560x125xi32, #tpu.memory_space<hbm>> -> memref<1x80x125xi32, #tpu.memory_space<hbm>>
      %dma_wait3A_80 = tpu.memref_squeeze %dma_wait3A_79 : memref<1x80x125xi32, #tpu.memory_space<hbm>> -> memref<80x125xi32, #tpu.memory_space<hbm>>
      tpu.wait_dma2 semaphore(%run_scoped3A_68 : memref<!tpu.dma_semaphore, #tpu.memory_space<semaphore_mem>>) src(%dma_wait3A_80 : memref<80x125xi32, #tpu.memory_space<hbm>>) dst(%arg7 : memref<80x125xi32, #tpu.memory_space<vmem>>)
      tpu.yield
    }) : () -> ()
    %barrier3A = arith.constant 0 : index
    tpu.barrier barrier_id(%barrier3A)
    %dma_start3A = arith.constant 0 : i32
    %dma_start3A_8 = arith.constant 0 : i32
    %dma_start3A_9 = tpu.memref_slice %arg6[%dma_start3A, %dma_start3A_8] : memref<80x125xi32, #tpu.memory_space<vmem>> -> memref<1x125xi32, #tpu.memory_space<vmem>>
    %dma_start3A_10 = tpu.memref_squeeze %dma_start3A_9 : memref<1x125xi32, #tpu.memory_space<vmem>> -> memref<125xi32, #tpu.memory_space<vmem>>
    %dma_start3A_11 = arith.constant 0 : i32
    %dma_start3A_12 = arith.constant 0 : i32
    %dma_start3A_13 = tpu.memref_slice %arg3[%dma_start3A_11, %dma_start3A_12] : memref<10000x32xf32, #tpu.memory_space<hbm>> -> memref<10000x32xf32, #tpu.memory_space<hbm>>
    tpu.enqueue_indirect_dma source(%dma_start3A_13 : memref<10000x32xf32, #tpu.memory_space<hbm>>) target(%arg8 : memref<125x32xf32, #tpu.memory_space<vmem>>) offsets(%dma_start3A_10 : memref<125xi32, #tpu.memory_space<vmem>>) semaphore(%arg16 : memref<!tpu.dma_semaphore, #tpu.memory_space<semaphore_mem>>)
    %dma_start3A_14 = arith.constant 1 : i32
    %dma_start3A_15 = arith.constant 0 : i32
    %dma_start3A_16 = tpu.memref_slice %arg6[%dma_start3A_14, %dma_start3A_15] : memref<80x125xi32, #tpu.memory_space<vmem>> -> memref<1x125xi32, #tpu.memory_space<vmem>>
    %dma_start3A_17 = tpu.memref_squeeze %dma_start3A_16 : memref<1x125xi32, #tpu.memory_space<vmem>> -> memref<125xi32, #tpu.memory_space<vmem>>
    %dma_start3A_18 = arith.constant 0 : i32
    %dma_start3A_19 = arith.constant 0 : i32
    %dma_start3A_20 = tpu.memref_slice %arg3[%dma_start3A_18, %dma_start3A_19] : memref<10000x32xf32, #tpu.memory_space<hbm>> -> memref<10000x32xf32, #tpu.memory_space<hbm>>
    tpu.enqueue_indirect_dma source(%dma_start3A_20 : memref<10000x32xf32, #tpu.memory_space<hbm>>) target(%arg9 : memref<125x32xf32, #tpu.memory_space<vmem>>) offsets(%dma_start3A_17 : memref<125xi32, #tpu.memory_space<vmem>>) semaphore(%arg17 : memref<!tpu.dma_semaphore, #tpu.memory_space<semaphore_mem>>)
    %dma_start3A_21 = arith.constant 2 : i32
    %dma_start3A_22 = arith.constant 0 : i32
    %dma_start3A_23 = tpu.memref_slice %arg6[%dma_start3A_21, %dma_start3A_22] : memref<80x125xi32, #tpu.memory_space<vmem>> -> memref<1x125xi32, #tpu.memory_space<vmem>>
    %dma_start3A_24 = tpu.memref_squeeze %dma_start3A_23 : memref<1x125xi32, #tpu.memory_space<vmem>> -> memref<125xi32, #tpu.memory_space<vmem>>
    %dma_start3A_25 = arith.constant 0 : i32
    %dma_start3A_26 = arith.constant 0 : i32
    %dma_start3A_27 = tpu.memref_slice %arg3[%dma_start3A_25, %dma_start3A_26] : memref<10000x32xf32, #tpu.memory_space<hbm>> -> memref<10000x32xf32, #tpu.memory_space<hbm>>
    tpu.enqueue_indirect_dma source(%dma_start3A_27 : memref<10000x32xf32, #tpu.memory_space<hbm>>) target(%arg10 : memref<125x32xf32, #tpu.memory_space<vmem>>) offsets(%dma_start3A_24 : memref<125xi32, #tpu.memory_space<vmem>>) semaphore(%arg18 : memref<!tpu.dma_semaphore, #tpu.memory_space<semaphore_mem>>)
    %dma_start3A_28 = arith.constant 3 : i32
    %dma_start3A_29 = arith.constant 0 : i32
    %dma_start3A_30 = tpu.memref_slice %arg6[%dma_start3A_28, %dma_start3A_29] : memref<80x125xi32, #tpu.memory_space<vmem>> -> memref<1x125xi32, #tpu.memory_space<vmem>>
    %dma_start3A_31 = tpu.memref_squeeze %dma_start3A_30 : memref<1x125xi32, #tpu.memory_space<vmem>> -> memref<125xi32, #tpu.memory_space<vmem>>
    %dma_start3A_32 = arith.constant 0 : i32
    %dma_start3A_33 = arith.constant 0 : i32
    %dma_start3A_34 = tpu.memref_slice %arg3[%dma_start3A_32, %dma_start3A_33] : memref<10000x32xf32, #tpu.memory_space<hbm>> -> memref<10000x32xf32, #tpu.memory_space<hbm>>
    tpu.enqueue_indirect_dma source(%dma_start3A_34 : memref<10000x32xf32, #tpu.memory_space<hbm>>) target(%arg11 : memref<125x32xf32, #tpu.memory_space<vmem>>) offsets(%dma_start3A_31 : memref<125xi32, #tpu.memory_space<vmem>>) semaphore(%arg19 : memref<!tpu.dma_semaphore, #tpu.memory_space<semaphore_mem>>)
    %scan3A = arith.constant 0 : i32
    %scan3A_35 = arith.constant 0 : i32
    %scan3A_36 = arith.constant 10 : i32
    %scan3A_37 = arith.addi %scan3A_35, %scan3A_36 : i32
    %scan3A_38 = arith.constant 1 : i32
    scf.for %scan3A_68 = %scan3A_35 to %scan3A_37 step %scan3A_38  : i32 {
      %mul3A_69 = arith.constant 8 : i32
      %mul3A_70 = arith.muli %mul3A_69, %scan3A_68 : i32
      %add3A_71 = arith.constant 0 : i32
      %add3A_72 = arith.addi %mul3A_70, %add3A_71 : i32
      %dma_wait3A_73 = arith.constant 0 : i32
      %dma_wait3A_74 = tpu.memref_slice %arg6[%add3A_72, %dma_wait3A_73] : memref<80x125xi32, #tpu.memory_space<vmem>> -> memref<1x125xi32, #tpu.memory_space<vmem>>
      %dma_wait3A_75 = tpu.memref_squeeze %dma_wait3A_74 : memref<1x125xi32, #tpu.memory_space<vmem>> -> memref<125xi32, #tpu.memory_space<vmem>>
      %dma_wait3A_76 = arith.constant 0 : i32
      %dma_wait3A_77 = arith.constant 0 : i32
      %dma_wait3A_78 = tpu.memref_slice %arg3[%dma_wait3A_76, %dma_wait3A_77] : memref<10000x32xf32, #tpu.memory_space<hbm>> -> memref<10000x32xf32, #tpu.memory_space<hbm>>
      tpu.wait_indirect_dma semaphore(%arg16 : memref<!tpu.dma_semaphore, #tpu.memory_space<semaphore_mem>>) src(%dma_wait3A_78 : memref<10000x32xf32, #tpu.memory_space<hbm>>) dst(%arg8 : memref<125x32xf32, #tpu.memory_space<vmem>>)
      %gt3A = arith.constant 0 : i32
      %gt3A_79 = arith.cmpi sgt, %scan3A_68, %gt3A : i32
      %convert_element_type3A = arith.extui %gt3A_79 : i1 to i32
      %cond3A = arith.constant 0 : i32
      %cond3A_80 = arith.cmpi ne, %convert_element_type3A, %cond3A : i32
      scf.if %cond3A_80 {
        %dma_wait3A_289 = arith.constant 0 : i32
        %dma_wait3A_290 = tpu.memref_slice %arg7[%add3A_72, %dma_wait3A_289] : memref<80x125xi32, #tpu.memory_space<vmem>> -> memref<1x125xi32, #tpu.memory_space<vmem>>
        %dma_wait3A_291 = tpu.memref_squeeze %dma_wait3A_290 : memref<1x125xi32, #tpu.memory_space<vmem>> -> memref<125xi32, #tpu.memory_space<vmem>>
        %dma_wait3A_292 = arith.constant 0 : i32
        %dma_wait3A_293 = arith.constant 0 : i32
        %dma_wait3A_294 = tpu.memref_slice %arg32[%dma_wait3A_292, %dma_wait3A_293] : memref<10112x32xf32, #tpu.memory_space<vmem_shared>> -> memref<10112x32xf32, #tpu.memory_space<vmem_shared>>
        tpu.wait_indirect_dma semaphore(%arg28 : memref<!tpu.dma_semaphore, #tpu.memory_space<semaphore_mem>>) src(%arg12 : memref<125x32xf32, #tpu.memory_space<vmem>>) dst(%dma_wait3A_294 : memref<10112x32xf32, #tpu.memory_space<vmem_shared>>)
      } else {
      }
      %add3A_81 = arith.constant 4 : i32
      %add3A_82 = arith.addi %add3A_72, %add3A_81 : i32
      %dma_start3A_83 = arith.constant 0 : i32
      %dma_start3A_84 = tpu.memref_slice %arg6[%add3A_82, %dma_start3A_83] : memref<80x125xi32, #tpu.memory_space<vmem>> -> memref<1x125xi32, #tpu.memory_space<vmem>>
      %dma_start3A_85 = tpu.memref_squeeze %dma_start3A_84 : memref<1x125xi32, #tpu.memory_space<vmem>> -> memref<125xi32, #tpu.memory_space<vmem>>
      %dma_start3A_86 = arith.constant 0 : i32
      %dma_start3A_87 = arith.constant 0 : i32
      %dma_start3A_88 = tpu.memref_slice %arg3[%dma_start3A_86, %dma_start3A_87] : memref<10000x32xf32, #tpu.memory_space<hbm>> -> memref<10000x32xf32, #tpu.memory_space<hbm>>
      tpu.enqueue_indirect_dma source(%dma_start3A_88 : memref<10000x32xf32, #tpu.memory_space<hbm>>) target(%arg12 : memref<125x32xf32, #tpu.memory_space<vmem>>) offsets(%dma_start3A_85 : memref<125xi32, #tpu.memory_space<vmem>>) semaphore(%arg20 : memref<!tpu.dma_semaphore, #tpu.memory_space<semaphore_mem>>)
      %dma_start3A_89 = arith.constant 0 : i32
      %dma_start3A_90 = tpu.memref_slice %arg7[%add3A_72, %dma_start3A_89] : memref<80x125xi32, #tpu.memory_space<vmem>> -> memref<1x125xi32, #tpu.memory_space<vmem>>
      %dma_start3A_91 = tpu.memref_squeeze %dma_start3A_90 : memref<1x125xi32, #tpu.memory_space<vmem>> -> memref<125xi32, #tpu.memory_space<vmem>>
      %dma_start3A_92 = arith.constant 0 : i32
      %dma_start3A_93 = arith.constant 0 : i32
      %dma_start3A_94 = tpu.memref_slice %arg32[%dma_start3A_92, %dma_start3A_93] : memref<10112x32xf32, #tpu.memory_space<vmem_shared>> -> memref<10112x32xf32, #tpu.memory_space<vmem_shared>>
      tpu.enqueue_indirect_dma source(%arg8 : memref<125x32xf32, #tpu.memory_space<vmem>>) target(%dma_start3A_94 : memref<10112x32xf32, #tpu.memory_space<vmem_shared>>) offsets(%dma_start3A_91 : memref<125xi32, #tpu.memory_space<vmem>>) semaphore(%arg24 : memref<!tpu.dma_semaphore, #tpu.memory_space<semaphore_mem>>) {add = true}
      %mul3A_95 = arith.constant 8 : i32
      %mul3A_96 = arith.muli %mul3A_95, %scan3A_68 : i32
      %add3A_97 = arith.constant 1 : i32
      %add3A_98 = arith.addi %mul3A_96, %add3A_97 : i32
      %dma_wait3A_99 = arith.constant 0 : i32
      %dma_wait3A_100 = tpu.memref_slice %arg6[%add3A_98, %dma_wait3A_99] : memref<80x125xi32, #tpu.memory_space<vmem>> -> memref<1x125xi32, #tpu.memory_space<vmem>>
      %dma_wait3A_101 = tpu.memref_squeeze %dma_wait3A_100 : memref<1x125xi32, #tpu.memory_space<vmem>> -> memref<125xi32, #tpu.memory_space<vmem>>
      %dma_wait3A_102 = arith.constant 0 : i32
      %dma_wait3A_103 = arith.constant 0 : i32
      %dma_wait3A_104 = tpu.memref_slice %arg3[%dma_wait3A_102, %dma_wait3A_103] : memref<10000x32xf32, #tpu.memory_space<hbm>> -> memref<10000x32xf32, #tpu.memory_space<hbm>>
      tpu.wait_indirect_dma semaphore(%arg17 : memref<!tpu.dma_semaphore, #tpu.memory_space<semaphore_mem>>) src(%dma_wait3A_104 : memref<10000x32xf32, #tpu.memory_space<hbm>>) dst(%arg9 : memref<125x32xf32, #tpu.memory_space<vmem>>)
      %gt3A_105 = arith.constant 0 : i32
      %gt3A_106 = arith.cmpi sgt, %scan3A_68, %gt3A_105 : i32
      %convert_element_type3A_107 = arith.extui %gt3A_106 : i1 to i32
      %cond3A_108 = arith.constant 0 : i32
      %cond3A_109 = arith.cmpi ne, %convert_element_type3A_107, %cond3A_108 : i32
      scf.if %cond3A_109 {
        %dma_wait3A_289 = arith.constant 0 : i32
        %dma_wait3A_290 = tpu.memref_slice %arg7[%add3A_98, %dma_wait3A_289] : memref<80x125xi32, #tpu.memory_space<vmem>> -> memref<1x125xi32, #tpu.memory_space<vmem>>
        %dma_wait3A_291 = tpu.memref_squeeze %dma_wait3A_290 : memref<1x125xi32, #tpu.memory_space<vmem>> -> memref<125xi32, #tpu.memory_space<vmem>>
        %dma_wait3A_292 = arith.constant 0 : i32
        %dma_wait3A_293 = arith.constant 0 : i32
        %dma_wait3A_294 = tpu.memref_slice %arg32[%dma_wait3A_292, %dma_wait3A_293] : memref<10112x32xf32, #tpu.memory_space<vmem_shared>> -> memref<10112x32xf32, #tpu.memory_space<vmem_shared>>
        tpu.wait_indirect_dma semaphore(%arg29 : memref<!tpu.dma_semaphore, #tpu.memory_space<semaphore_mem>>) src(%arg13 : memref<125x32xf32, #tpu.memory_space<vmem>>) dst(%dma_wait3A_294 : memref<10112x32xf32, #tpu.memory_space<vmem_shared>>)
      } else {
      }
      %add3A_110 = arith.constant 4 : i32
      %add3A_111 = arith.addi %add3A_98, %add3A_110 : i32
      %dma_start3A_112 = arith.constant 0 : i32
      %dma_start3A_113 = tpu.memref_slice %arg6[%add3A_111, %dma_start3A_112] : memref<80x125xi32, #tpu.memory_space<vmem>> -> memref<1x125xi32, #tpu.memory_space<vmem>>
      %dma_start3A_114 = tpu.memref_squeeze %dma_start3A_113 : memref<1x125xi32, #tpu.memory_space<vmem>> -> memref<125xi32, #tpu.memory_space<vmem>>
      %dma_start3A_115 = arith.constant 0 : i32
      %dma_start3A_116 = arith.constant 0 : i32
      %dma_start3A_117 = tpu.memref_slice %arg3[%dma_start3A_115, %dma_start3A_116] : memref<10000x32xf32, #tpu.memory_space<hbm>> -> memref<10000x32xf32, #tpu.memory_space<hbm>>
      tpu.enqueue_indirect_dma source(%dma_start3A_117 : memref<10000x32xf32, #tpu.memory_space<hbm>>) target(%arg13 : memref<125x32xf32, #tpu.memory_space<vmem>>) offsets(%dma_start3A_114 : memref<125xi32, #tpu.memory_space<vmem>>) semaphore(%arg21 : memref<!tpu.dma_semaphore, #tpu.memory_space<semaphore_mem>>)
      %dma_start3A_118 = arith.constant 0 : i32
      %dma_start3A_119 = tpu.memref_slice %arg7[%add3A_98, %dma_start3A_118] : memref<80x125xi32, #tpu.memory_space<vmem>> -> memref<1x125xi32, #tpu.memory_space<vmem>>
      %dma_start3A_120 = tpu.memref_squeeze %dma_start3A_119 : memref<1x125xi32, #tpu.memory_space<vmem>> -> memref<125xi32, #tpu.memory_space<vmem>>
      %dma_start3A_121 = arith.constant 0 : i32
      %dma_start3A_122 = arith.constant 0 : i32
      %dma_start3A_123 = tpu.memref_slice %arg32[%dma_start3A_121, %dma_start3A_122] : memref<10112x32xf32, #tpu.memory_space<vmem_shared>> -> memref<10112x32xf32, #tpu.memory_space<vmem_shared>>
      tpu.enqueue_indirect_dma source(%arg9 : memref<125x32xf32, #tpu.memory_space<vmem>>) target(%dma_start3A_123 : memref<10112x32xf32, #tpu.memory_space<vmem_shared>>) offsets(%dma_start3A_120 : memref<125xi32, #tpu.memory_space<vmem>>) semaphore(%arg25 : memref<!tpu.dma_semaphore, #tpu.memory_space<semaphore_mem>>) {add = true}
      %mul3A_124 = arith.constant 8 : i32
      %mul3A_125 = arith.muli %mul3A_124, %scan3A_68 : i32
      %add3A_126 = arith.constant 2 : i32
      %add3A_127 = arith.addi %mul3A_125, %add3A_126 : i32
      %dma_wait3A_128 = arith.constant 0 : i32
      %dma_wait3A_129 = tpu.memref_slice %arg6[%add3A_127, %dma_wait3A_128] : memref<80x125xi32, #tpu.memory_space<vmem>> -> memref<1x125xi32, #tpu.memory_space<vmem>>
      %dma_wait3A_130 = tpu.memref_squeeze %dma_wait3A_129 : memref<1x125xi32, #tpu.memory_space<vmem>> -> memref<125xi32, #tpu.memory_space<vmem>>
      %dma_wait3A_131 = arith.constant 0 : i32
      %dma_wait3A_132 = arith.constant 0 : i32
      %dma_wait3A_133 = tpu.memref_slice %arg3[%dma_wait3A_131, %dma_wait3A_132] : memref<10000x32xf32, #tpu.memory_space<hbm>> -> memref<10000x32xf32, #tpu.memory_space<hbm>>
      tpu.wait_indirect_dma semaphore(%arg18 : memref<!tpu.dma_semaphore, #tpu.memory_space<semaphore_mem>>) src(%dma_wait3A_133 : memref<10000x32xf32, #tpu.memory_space<hbm>>) dst(%arg10 : memref<125x32xf32, #tpu.memory_space<vmem>>)
      %gt3A_134 = arith.constant 0 : i32
      %gt3A_135 = arith.cmpi sgt, %scan3A_68, %gt3A_134 : i32
      %convert_element_type3A_136 = arith.extui %gt3A_135 : i1 to i32
      %cond3A_137 = arith.constant 0 : i32
      %cond3A_138 = arith.cmpi ne, %convert_element_type3A_136, %cond3A_137 : i32
      scf.if %cond3A_138 {
        %dma_wait3A_289 = arith.constant 0 : i32
        %dma_wait3A_290 = tpu.memref_slice %arg7[%add3A_127, %dma_wait3A_289] : memref<80x125xi32, #tpu.memory_space<vmem>> -> memref<1x125xi32, #tpu.memory_space<vmem>>
        %dma_wait3A_291 = tpu.memref_squeeze %dma_wait3A_290 : memref<1x125xi32, #tpu.memory_space<vmem>> -> memref<125xi32, #tpu.memory_space<vmem>>
        %dma_wait3A_292 = arith.constant 0 : i32
        %dma_wait3A_293 = arith.constant 0 : i32
        %dma_wait3A_294 = tpu.memref_slice %arg32[%dma_wait3A_292, %dma_wait3A_293] : memref<10112x32xf32, #tpu.memory_space<vmem_shared>> -> memref<10112x32xf32, #tpu.memory_space<vmem_shared>>
        tpu.wait_indirect_dma semaphore(%arg30 : memref<!tpu.dma_semaphore, #tpu.memory_space<semaphore_mem>>) src(%arg14 : memref<125x32xf32, #tpu.memory_space<vmem>>) dst(%dma_wait3A_294 : memref<10112x32xf32, #tpu.memory_space<vmem_shared>>)
      } else {
      }
      %add3A_139 = arith.constant 4 : i32
      %add3A_140 = arith.addi %add3A_127, %add3A_139 : i32
      %dma_start3A_141 = arith.constant 0 : i32
      %dma_start3A_142 = tpu.memref_slice %arg6[%add3A_140, %dma_start3A_141] : memref<80x125xi32, #tpu.memory_space<vmem>> -> memref<1x125xi32, #tpu.memory_space<vmem>>
      %dma_start3A_143 = tpu.memref_squeeze %dma_start3A_142 : memref<1x125xi32, #tpu.memory_space<vmem>> -> memref<125xi32, #tpu.memory_space<vmem>>
      %dma_start3A_144 = arith.constant 0 : i32
      %dma_start3A_145 = arith.constant 0 : i32
      %dma_start3A_146 = tpu.memref_slice %arg3[%dma_start3A_144, %dma_start3A_145] : memref<10000x32xf32, #tpu.memory_space<hbm>> -> memref<10000x32xf32, #tpu.memory_space<hbm>>
      tpu.enqueue_indirect_dma source(%dma_start3A_146 : memref<10000x32xf32, #tpu.memory_space<hbm>>) target(%arg14 : memref<125x32xf32, #tpu.memory_space<vmem>>) offsets(%dma_start3A_143 : memref<125xi32, #tpu.memory_space<vmem>>) semaphore(%arg22 : memref<!tpu.dma_semaphore, #tpu.memory_space<semaphore_mem>>)
      %dma_start3A_147 = arith.constant 0 : i32
      %dma_start3A_148 = tpu.memref_slice %arg7[%add3A_127, %dma_start3A_147] : memref<80x125xi32, #tpu.memory_space<vmem>> -> memref<1x125xi32, #tpu.memory_space<vmem>>
      %dma_start3A_149 = tpu.memref_squeeze %dma_start3A_148 : memref<1x125xi32, #tpu.memory_space<vmem>> -> memref<125xi32, #tpu.memory_space<vmem>>
      %dma_start3A_150 = arith.constant 0 : i32
      %dma_start3A_151 = arith.constant 0 : i32
      %dma_start3A_152 = tpu.memref_slice %arg32[%dma_start3A_150, %dma_start3A_151] : memref<10112x32xf32, #tpu.memory_space<vmem_shared>> -> memref<10112x32xf32, #tpu.memory_space<vmem_shared>>
      tpu.enqueue_indirect_dma source(%arg10 : memref<125x32xf32, #tpu.memory_space<vmem>>) target(%dma_start3A_152 : memref<10112x32xf32, #tpu.memory_space<vmem_shared>>) offsets(%dma_start3A_149 : memref<125xi32, #tpu.memory_space<vmem>>) semaphore(%arg26 : memref<!tpu.dma_semaphore, #tpu.memory_space<semaphore_mem>>) {add = true}
      %mul3A_153 = arith.constant 8 : i32
      %mul3A_154 = arith.muli %mul3A_153, %scan3A_68 : i32
      %add3A_155 = arith.constant 3 : i32
      %add3A_156 = arith.addi %mul3A_154, %add3A_155 : i32
      %dma_wait3A_157 = arith.constant 0 : i32
      %dma_wait3A_158 = tpu.memref_slice %arg6[%add3A_156, %dma_wait3A_157] : memref<80x125xi32, #tpu.memory_space<vmem>> -> memref<1x125xi32, #tpu.memory_space<vmem>>
      %dma_wait3A_159 = tpu.memref_squeeze %dma_wait3A_158 : memref<1x125xi32, #tpu.memory_space<vmem>> -> memref<125xi32, #tpu.memory_space<vmem>>
      %dma_wait3A_160 = arith.constant 0 : i32
      %dma_wait3A_161 = arith.constant 0 : i32
      %dma_wait3A_162 = tpu.memref_slice %arg3[%dma_wait3A_160, %dma_wait3A_161] : memref<10000x32xf32, #tpu.memory_space<hbm>> -> memref<10000x32xf32, #tpu.memory_space<hbm>>
      tpu.wait_indirect_dma semaphore(%arg19 : memref<!tpu.dma_semaphore, #tpu.memory_space<semaphore_mem>>) src(%dma_wait3A_162 : memref<10000x32xf32, #tpu.memory_space<hbm>>) dst(%arg11 : memref<125x32xf32, #tpu.memory_space<vmem>>)
      %gt3A_163 = arith.constant 0 : i32
      %gt3A_164 = arith.cmpi sgt, %scan3A_68, %gt3A_163 : i32
      %convert_element_type3A_165 = arith.extui %gt3A_164 : i1 to i32
      %cond3A_166 = arith.constant 0 : i32
      %cond3A_167 = arith.cmpi ne, %convert_element_type3A_165, %cond3A_166 : i32
      scf.if %cond3A_167 {
        %dma_wait3A_289 = arith.constant 0 : i32
        %dma_wait3A_290 = tpu.memref_slice %arg7[%add3A_156, %dma_wait3A_289] : memref<80x125xi32, #tpu.memory_space<vmem>> -> memref<1x125xi32, #tpu.memory_space<vmem>>
        %dma_wait3A_291 = tpu.memref_squeeze %dma_wait3A_290 : memref<1x125xi32, #tpu.memory_space<vmem>> -> memref<125xi32, #tpu.memory_space<vmem>>
        %dma_wait3A_292 = arith.constant 0 : i32
        %dma_wait3A_293 = arith.constant 0 : i32
        %dma_wait3A_294 = tpu.memref_slice %arg32[%dma_wait3A_292, %dma_wait3A_293] : memref<10112x32xf32, #tpu.memory_space<vmem_shared>> -> memref<10112x32xf32, #tpu.memory_space<vmem_shared>>
        tpu.wait_indirect_dma semaphore(%arg31 : memref<!tpu.dma_semaphore, #tpu.memory_space<semaphore_mem>>) src(%arg15 : memref<125x32xf32, #tpu.memory_space<vmem>>) dst(%dma_wait3A_294 : memref<10112x32xf32, #tpu.memory_space<vmem_shared>>)
      } else {
      }
      %add3A_168 = arith.constant 4 : i32
      %add3A_169 = arith.addi %add3A_156, %add3A_168 : i32
      %dma_start3A_170 = arith.constant 0 : i32
      %dma_start3A_171 = tpu.memref_slice %arg6[%add3A_169, %dma_start3A_170] : memref<80x125xi32, #tpu.memory_space<vmem>> -> memref<1x125xi32, #tpu.memory_space<vmem>>
      %dma_start3A_172 = tpu.memref_squeeze %dma_start3A_171 : memref<1x125xi32, #tpu.memory_space<vmem>> -> memref<125xi32, #tpu.memory_space<vmem>>
      %dma_start3A_173 = arith.constant 0 : i32
      %dma_start3A_174 = arith.constant 0 : i32
      %dma_start3A_175 = tpu.memref_slice %arg3[%dma_start3A_173, %dma_start3A_174] : memref<10000x32xf32, #tpu.memory_space<hbm>> -> memref<10000x32xf32, #tpu.memory_space<hbm>>
      tpu.enqueue_indirect_dma source(%dma_start3A_175 : memref<10000x32xf32, #tpu.memory_space<hbm>>) target(%arg15 : memref<125x32xf32, #tpu.memory_space<vmem>>) offsets(%dma_start3A_172 : memref<125xi32, #tpu.memory_space<vmem>>) semaphore(%arg23 : memref<!tpu.dma_semaphore, #tpu.memory_space<semaphore_mem>>)
      %dma_start3A_176 = arith.constant 0 : i32
      %dma_start3A_177 = tpu.memref_slice %arg7[%add3A_156, %dma_start3A_176] : memref<80x125xi32, #tpu.memory_space<vmem>> -> memref<1x125xi32, #tpu.memory_space<vmem>>
      %dma_start3A_178 = tpu.memref_squeeze %dma_start3A_177 : memref<1x125xi32, #tpu.memory_space<vmem>> -> memref<125xi32, #tpu.memory_space<vmem>>
      %dma_start3A_179 = arith.constant 0 : i32
      %dma_start3A_180 = arith.constant 0 : i32
      %dma_start3A_181 = tpu.memref_slice %arg32[%dma_start3A_179, %dma_start3A_180] : memref<10112x32xf32, #tpu.memory_space<vmem_shared>> -> memref<10112x32xf32, #tpu.memory_space<vmem_shared>>
      tpu.enqueue_indirect_dma source(%arg11 : memref<125x32xf32, #tpu.memory_space<vmem>>) target(%dma_start3A_181 : memref<10112x32xf32, #tpu.memory_space<vmem_shared>>) offsets(%dma_start3A_178 : memref<125xi32, #tpu.memory_space<vmem>>) semaphore(%arg27 : memref<!tpu.dma_semaphore, #tpu.memory_space<semaphore_mem>>) {add = true}
      %mul3A_182 = arith.constant 8 : i32
      %mul3A_183 = arith.muli %mul3A_182, %scan3A_68 : i32
      %add3A_184 = arith.constant 4 : i32
      %add3A_185 = arith.addi %mul3A_183, %add3A_184 : i32
      %dma_wait3A_186 = arith.constant 0 : i32
      %dma_wait3A_187 = tpu.memref_slice %arg6[%add3A_185, %dma_wait3A_186] : memref<80x125xi32, #tpu.memory_space<vmem>> -> memref<1x125xi32, #tpu.memory_space<vmem>>
      %dma_wait3A_188 = tpu.memref_squeeze %dma_wait3A_187 : memref<1x125xi32, #tpu.memory_space<vmem>> -> memref<125xi32, #tpu.memory_space<vmem>>
      %dma_wait3A_189 = arith.constant 0 : i32
      %dma_wait3A_190 = arith.constant 0 : i32
      %dma_wait3A_191 = tpu.memref_slice %arg3[%dma_wait3A_189, %dma_wait3A_190] : memref<10000x32xf32, #tpu.memory_space<hbm>> -> memref<10000x32xf32, #tpu.memory_space<hbm>>
      tpu.wait_indirect_dma semaphore(%arg20 : memref<!tpu.dma_semaphore, #tpu.memory_space<semaphore_mem>>) src(%dma_wait3A_191 : memref<10000x32xf32, #tpu.memory_space<hbm>>) dst(%arg12 : memref<125x32xf32, #tpu.memory_space<vmem>>)
      %dma_wait3A_192 = arith.constant 0 : i32
      %dma_wait3A_193 = tpu.memref_slice %arg7[%add3A_185, %dma_wait3A_192] : memref<80x125xi32, #tpu.memory_space<vmem>> -> memref<1x125xi32, #tpu.memory_space<vmem>>
      %dma_wait3A_194 = tpu.memref_squeeze %dma_wait3A_193 : memref<1x125xi32, #tpu.memory_space<vmem>> -> memref<125xi32, #tpu.memory_space<vmem>>
      %dma_wait3A_195 = arith.constant 0 : i32
      %dma_wait3A_196 = arith.constant 0 : i32
      %dma_wait3A_197 = tpu.memref_slice %arg32[%dma_wait3A_195, %dma_wait3A_196] : memref<10112x32xf32, #tpu.memory_space<vmem_shared>> -> memref<10112x32xf32, #tpu.memory_space<vmem_shared>>
      tpu.wait_indirect_dma semaphore(%arg24 : memref<!tpu.dma_semaphore, #tpu.memory_space<semaphore_mem>>) src(%arg8 : memref<125x32xf32, #tpu.memory_space<vmem>>) dst(%dma_wait3A_197 : memref<10112x32xf32, #tpu.memory_space<vmem_shared>>)
      %lt3A = arith.constant 9 : i32
      %lt3A_198 = arith.cmpi slt, %scan3A_68, %lt3A : i32
      %convert_element_type3A_199 = arith.extui %lt3A_198 : i1 to i32
      %cond3A_200 = arith.constant 0 : i32
      %cond3A_201 = arith.cmpi ne, %convert_element_type3A_199, %cond3A_200 : i32
      scf.if %cond3A_201 {
        %add3A_289 = arith.constant 4 : i32
        %add3A_290 = arith.addi %add3A_185, %add3A_289 : i32
        %dma_start3A_291 = arith.constant 0 : i32
        %dma_start3A_292 = tpu.memref_slice %arg6[%add3A_290, %dma_start3A_291] : memref<80x125xi32, #tpu.memory_space<vmem>> -> memref<1x125xi32, #tpu.memory_space<vmem>>
        %dma_start3A_293 = tpu.memref_squeeze %dma_start3A_292 : memref<1x125xi32, #tpu.memory_space<vmem>> -> memref<125xi32, #tpu.memory_space<vmem>>
        %dma_start3A_294 = arith.constant 0 : i32
        %dma_start3A_295 = arith.constant 0 : i32
        %dma_start3A_296 = tpu.memref_slice %arg3[%dma_start3A_294, %dma_start3A_295] : memref<10000x32xf32, #tpu.memory_space<hbm>> -> memref<10000x32xf32, #tpu.memory_space<hbm>>
        tpu.enqueue_indirect_dma source(%dma_start3A_296 : memref<10000x32xf32, #tpu.memory_space<hbm>>) target(%arg8 : memref<125x32xf32, #tpu.memory_space<vmem>>) offsets(%dma_start3A_293 : memref<125xi32, #tpu.memory_space<vmem>>) semaphore(%arg16 : memref<!tpu.dma_semaphore, #tpu.memory_space<semaphore_mem>>)
      } else {
      }
      %dma_start3A_202 = arith.constant 0 : i32
      %dma_start3A_203 = tpu.memref_slice %arg7[%add3A_185, %dma_start3A_202] : memref<80x125xi32, #tpu.memory_space<vmem>> -> memref<1x125xi32, #tpu.memory_space<vmem>>
      %dma_start3A_204 = tpu.memref_squeeze %dma_start3A_203 : memref<1x125xi32, #tpu.memory_space<vmem>> -> memref<125xi32, #tpu.memory_space<vmem>>
      %dma_start3A_205 = arith.constant 0 : i32
      %dma_start3A_206 = arith.constant 0 : i32
      %dma_start3A_207 = tpu.memref_slice %arg32[%dma_start3A_205, %dma_start3A_206] : memref<10112x32xf32, #tpu.memory_space<vmem_shared>> -> memref<10112x32xf32, #tpu.memory_space<vmem_shared>>
      tpu.enqueue_indirect_dma source(%arg12 : memref<125x32xf32, #tpu.memory_space<vmem>>) target(%dma_start3A_207 : memref<10112x32xf32, #tpu.memory_space<vmem_shared>>) offsets(%dma_start3A_204 : memref<125xi32, #tpu.memory_space<vmem>>) semaphore(%arg28 : memref<!tpu.dma_semaphore, #tpu.memory_space<semaphore_mem>>) {add = true}
      %mul3A_208 = arith.constant 8 : i32
      %mul3A_209 = arith.muli %mul3A_208, %scan3A_68 : i32
      %add3A_210 = arith.constant 5 : i32
      %add3A_211 = arith.addi %mul3A_209, %add3A_210 : i32
      %dma_wait3A_212 = arith.constant 0 : i32
      %dma_wait3A_213 = tpu.memref_slice %arg6[%add3A_211, %dma_wait3A_212] : memref<80x125xi32, #tpu.memory_space<vmem>> -> memref<1x125xi32, #tpu.memory_space<vmem>>
      %dma_wait3A_214 = tpu.memref_squeeze %dma_wait3A_213 : memref<1x125xi32, #tpu.memory_space<vmem>> -> memref<125xi32, #tpu.memory_space<vmem>>
      %dma_wait3A_215 = arith.constant 0 : i32
      %dma_wait3A_216 = arith.constant 0 : i32
      %dma_wait3A_217 = tpu.memref_slice %arg3[%dma_wait3A_215, %dma_wait3A_216] : memref<10000x32xf32, #tpu.memory_space<hbm>> -> memref<10000x32xf32, #tpu.memory_space<hbm>>
      tpu.wait_indirect_dma semaphore(%arg21 : memref<!tpu.dma_semaphore, #tpu.memory_space<semaphore_mem>>) src(%dma_wait3A_217 : memref<10000x32xf32, #tpu.memory_space<hbm>>) dst(%arg13 : memref<125x32xf32, #tpu.memory_space<vmem>>)
      %dma_wait3A_218 = arith.constant 0 : i32
      %dma_wait3A_219 = tpu.memref_slice %arg7[%add3A_211, %dma_wait3A_218] : memref<80x125xi32, #tpu.memory_space<vmem>> -> memref<1x125xi32, #tpu.memory_space<vmem>>
      %dma_wait3A_220 = tpu.memref_squeeze %dma_wait3A_219 : memref<1x125xi32, #tpu.memory_space<vmem>> -> memref<125xi32, #tpu.memory_space<vmem>>
      %dma_wait3A_221 = arith.constant 0 : i32
      %dma_wait3A_222 = arith.constant 0 : i32
      %dma_wait3A_223 = tpu.memref_slice %arg32[%dma_wait3A_221, %dma_wait3A_222] : memref<10112x32xf32, #tpu.memory_space<vmem_shared>> -> memref<10112x32xf32, #tpu.memory_space<vmem_shared>>
      tpu.wait_indirect_dma semaphore(%arg25 : memref<!tpu.dma_semaphore, #tpu.memory_space<semaphore_mem>>) src(%arg9 : memref<125x32xf32, #tpu.memory_space<vmem>>) dst(%dma_wait3A_223 : memref<10112x32xf32, #tpu.memory_space<vmem_shared>>)
      %lt3A_224 = arith.constant 9 : i32
      %lt3A_225 = arith.cmpi slt, %scan3A_68, %lt3A_224 : i32
      %convert_element_type3A_226 = arith.extui %lt3A_225 : i1 to i32
      %cond3A_227 = arith.constant 0 : i32
      %cond3A_228 = arith.cmpi ne, %convert_element_type3A_226, %cond3A_227 : i32
      scf.if %cond3A_228 {
        %add3A_289 = arith.constant 4 : i32
        %add3A_290 = arith.addi %add3A_211, %add3A_289 : i32
        %dma_start3A_291 = arith.constant 0 : i32
        %dma_start3A_292 = tpu.memref_slice %arg6[%add3A_290, %dma_start3A_291] : memref<80x125xi32, #tpu.memory_space<vmem>> -> memref<1x125xi32, #tpu.memory_space<vmem>>
        %dma_start3A_293 = tpu.memref_squeeze %dma_start3A_292 : memref<1x125xi32, #tpu.memory_space<vmem>> -> memref<125xi32, #tpu.memory_space<vmem>>
        %dma_start3A_294 = arith.constant 0 : i32
        %dma_start3A_295 = arith.constant 0 : i32
        %dma_start3A_296 = tpu.memref_slice %arg3[%dma_start3A_294, %dma_start3A_295] : memref<10000x32xf32, #tpu.memory_space<hbm>> -> memref<10000x32xf32, #tpu.memory_space<hbm>>
        tpu.enqueue_indirect_dma source(%dma_start3A_296 : memref<10000x32xf32, #tpu.memory_space<hbm>>) target(%arg9 : memref<125x32xf32, #tpu.memory_space<vmem>>) offsets(%dma_start3A_293 : memref<125xi32, #tpu.memory_space<vmem>>) semaphore(%arg17 : memref<!tpu.dma_semaphore, #tpu.memory_space<semaphore_mem>>)
      } else {
      }
      %dma_start3A_229 = arith.constant 0 : i32
      %dma_start3A_230 = tpu.memref_slice %arg7[%add3A_211, %dma_start3A_229] : memref<80x125xi32, #tpu.memory_space<vmem>> -> memref<1x125xi32, #tpu.memory_space<vmem>>
      %dma_start3A_231 = tpu.memref_squeeze %dma_start3A_230 : memref<1x125xi32, #tpu.memory_space<vmem>> -> memref<125xi32, #tpu.memory_space<vmem>>
      %dma_start3A_232 = arith.constant 0 : i32
      %dma_start3A_233 = arith.constant 0 : i32
      %dma_start3A_234 = tpu.memref_slice %arg32[%dma_start3A_232, %dma_start3A_233] : memref<10112x32xf32, #tpu.memory_space<vmem_shared>> -> memref<10112x32xf32, #tpu.memory_space<vmem_shared>>
      tpu.enqueue_indirect_dma source(%arg13 : memref<125x32xf32, #tpu.memory_space<vmem>>) target(%dma_start3A_234 : memref<10112x32xf32, #tpu.memory_space<vmem_shared>>) offsets(%dma_start3A_231 : memref<125xi32, #tpu.memory_space<vmem>>) semaphore(%arg29 : memref<!tpu.dma_semaphore, #tpu.memory_space<semaphore_mem>>) {add = true}
      %mul3A_235 = arith.constant 8 : i32
      %mul3A_236 = arith.muli %mul3A_235, %scan3A_68 : i32
      %add3A_237 = arith.constant 6 : i32
      %add3A_238 = arith.addi %mul3A_236, %add3A_237 : i32
      %dma_wait3A_239 = arith.constant 0 : i32
      %dma_wait3A_240 = tpu.memref_slice %arg6[%add3A_238, %dma_wait3A_239] : memref<80x125xi32, #tpu.memory_space<vmem>> -> memref<1x125xi32, #tpu.memory_space<vmem>>
      %dma_wait3A_241 = tpu.memref_squeeze %dma_wait3A_240 : memref<1x125xi32, #tpu.memory_space<vmem>> -> memref<125xi32, #tpu.memory_space<vmem>>
      %dma_wait3A_242 = arith.constant 0 : i32
      %dma_wait3A_243 = arith.constant 0 : i32
      %dma_wait3A_244 = tpu.memref_slice %arg3[%dma_wait3A_242, %dma_wait3A_243] : memref<10000x32xf32, #tpu.memory_space<hbm>> -> memref<10000x32xf32, #tpu.memory_space<hbm>>
      tpu.wait_indirect_dma semaphore(%arg22 : memref<!tpu.dma_semaphore, #tpu.memory_space<semaphore_mem>>) src(%dma_wait3A_244 : memref<10000x32xf32, #tpu.memory_space<hbm>>) dst(%arg14 : memref<125x32xf32, #tpu.memory_space<vmem>>)
      %dma_wait3A_245 = arith.constant 0 : i32
      %dma_wait3A_246 = tpu.memref_slice %arg7[%add3A_238, %dma_wait3A_245] : memref<80x125xi32, #tpu.memory_space<vmem>> -> memref<1x125xi32, #tpu.memory_space<vmem>>
      %dma_wait3A_247 = tpu.memref_squeeze %dma_wait3A_246 : memref<1x125xi32, #tpu.memory_space<vmem>> -> memref<125xi32, #tpu.memory_space<vmem>>
      %dma_wait3A_248 = arith.constant 0 : i32
      %dma_wait3A_249 = arith.constant 0 : i32
      %dma_wait3A_250 = tpu.memref_slice %arg32[%dma_wait3A_248, %dma_wait3A_249] : memref<10112x32xf32, #tpu.memory_space<vmem_shared>> -> memref<10112x32xf32, #tpu.memory_space<vmem_shared>>
      tpu.wait_indirect_dma semaphore(%arg26 : memref<!tpu.dma_semaphore, #tpu.memory_space<semaphore_mem>>) src(%arg10 : memref<125x32xf32, #tpu.memory_space<vmem>>) dst(%dma_wait3A_250 : memref<10112x32xf32, #tpu.memory_space<vmem_shared>>)
      %lt3A_251 = arith.constant 9 : i32
      %lt3A_252 = arith.cmpi slt, %scan3A_68, %lt3A_251 : i32
      %convert_element_type3A_253 = arith.extui %lt3A_252 : i1 to i32
      %cond3A_254 = arith.constant 0 : i32
      %cond3A_255 = arith.cmpi ne, %convert_element_type3A_253, %cond3A_254 : i32
      scf.if %cond3A_255 {
        %add3A_289 = arith.constant 4 : i32
        %add3A_290 = arith.addi %add3A_238, %add3A_289 : i32
        %dma_start3A_291 = arith.constant 0 : i32
        %dma_start3A_292 = tpu.memref_slice %arg6[%add3A_290, %dma_start3A_291] : memref<80x125xi32, #tpu.memory_space<vmem>> -> memref<1x125xi32, #tpu.memory_space<vmem>>
        %dma_start3A_293 = tpu.memref_squeeze %dma_start3A_292 : memref<1x125xi32, #tpu.memory_space<vmem>> -> memref<125xi32, #tpu.memory_space<vmem>>
        %dma_start3A_294 = arith.constant 0 : i32
        %dma_start3A_295 = arith.constant 0 : i32
        %dma_start3A_296 = tpu.memref_slice %arg3[%dma_start3A_294, %dma_start3A_295] : memref<10000x32xf32, #tpu.memory_space<hbm>> -> memref<10000x32xf32, #tpu.memory_space<hbm>>
        tpu.enqueue_indirect_dma source(%dma_start3A_296 : memref<10000x32xf32, #tpu.memory_space<hbm>>) target(%arg10 : memref<125x32xf32, #tpu.memory_space<vmem>>) offsets(%dma_start3A_293 : memref<125xi32, #tpu.memory_space<vmem>>) semaphore(%arg18 : memref<!tpu.dma_semaphore, #tpu.memory_space<semaphore_mem>>)
      } else {
      }
      %dma_start3A_256 = arith.constant 0 : i32
      %dma_start3A_257 = tpu.memref_slice %arg7[%add3A_238, %dma_start3A_256] : memref<80x125xi32, #tpu.memory_space<vmem>> -> memref<1x125xi32, #tpu.memory_space<vmem>>
      %dma_start3A_258 = tpu.memref_squeeze %dma_start3A_257 : memref<1x125xi32, #tpu.memory_space<vmem>> -> memref<125xi32, #tpu.memory_space<vmem>>
      %dma_start3A_259 = arith.constant 0 : i32
      %dma_start3A_260 = arith.constant 0 : i32
      %dma_start3A_261 = tpu.memref_slice %arg32[%dma_start3A_259, %dma_start3A_260] : memref<10112x32xf32, #tpu.memory_space<vmem_shared>> -> memref<10112x32xf32, #tpu.memory_space<vmem_shared>>
      tpu.enqueue_indirect_dma source(%arg14 : memref<125x32xf32, #tpu.memory_space<vmem>>) target(%dma_start3A_261 : memref<10112x32xf32, #tpu.memory_space<vmem_shared>>) offsets(%dma_start3A_258 : memref<125xi32, #tpu.memory_space<vmem>>) semaphore(%arg30 : memref<!tpu.dma_semaphore, #tpu.memory_space<semaphore_mem>>) {add = true}
      %mul3A_262 = arith.constant 8 : i32
      %mul3A_263 = arith.muli %mul3A_262, %scan3A_68 : i32
      %add3A_264 = arith.constant 7 : i32
      %add3A_265 = arith.addi %mul3A_263, %add3A_264 : i32
      %dma_wait3A_266 = arith.constant 0 : i32
      %dma_wait3A_267 = tpu.memref_slice %arg6[%add3A_265, %dma_wait3A_266] : memref<80x125xi32, #tpu.memory_space<vmem>> -> memref<1x125xi32, #tpu.memory_space<vmem>>
      %dma_wait3A_268 = tpu.memref_squeeze %dma_wait3A_267 : memref<1x125xi32, #tpu.memory_space<vmem>> -> memref<125xi32, #tpu.memory_space<vmem>>
      %dma_wait3A_269 = arith.constant 0 : i32
      %dma_wait3A_270 = arith.constant 0 : i32
      %dma_wait3A_271 = tpu.memref_slice %arg3[%dma_wait3A_269, %dma_wait3A_270] : memref<10000x32xf32, #tpu.memory_space<hbm>> -> memref<10000x32xf32, #tpu.memory_space<hbm>>
      tpu.wait_indirect_dma semaphore(%arg23 : memref<!tpu.dma_semaphore, #tpu.memory_space<semaphore_mem>>) src(%dma_wait3A_271 : memref<10000x32xf32, #tpu.memory_space<hbm>>) dst(%arg15 : memref<125x32xf32, #tpu.memory_space<vmem>>)
      %dma_wait3A_272 = arith.constant 0 : i32
      %dma_wait3A_273 = tpu.memref_slice %arg7[%add3A_265, %dma_wait3A_272] : memref<80x125xi32, #tpu.memory_space<vmem>> -> memref<1x125xi32, #tpu.memory_space<vmem>>
      %dma_wait3A_274 = tpu.memref_squeeze %dma_wait3A_273 : memref<1x125xi32, #tpu.memory_space<vmem>> -> memref<125xi32, #tpu.memory_space<vmem>>
      %dma_wait3A_275 = arith.constant 0 : i32
      %dma_wait3A_276 = arith.constant 0 : i32
      %dma_wait3A_277 = tpu.memref_slice %arg32[%dma_wait3A_275, %dma_wait3A_276] : memref<10112x32xf32, #tpu.memory_space<vmem_shared>> -> memref<10112x32xf32, #tpu.memory_space<vmem_shared>>
      tpu.wait_indirect_dma semaphore(%arg27 : memref<!tpu.dma_semaphore, #tpu.memory_space<semaphore_mem>>) src(%arg11 : memref<125x32xf32, #tpu.memory_space<vmem>>) dst(%dma_wait3A_277 : memref<10112x32xf32, #tpu.memory_space<vmem_shared>>)
      %lt3A_278 = arith.constant 9 : i32
      %lt3A_279 = arith.cmpi slt, %scan3A_68, %lt3A_278 : i32
      %convert_element_type3A_280 = arith.extui %lt3A_279 : i1 to i32
      %cond3A_281 = arith.constant 0 : i32
      %cond3A_282 = arith.cmpi ne, %convert_element_type3A_280, %cond3A_281 : i32
      scf.if %cond3A_282 {
        %add3A_289 = arith.constant 4 : i32
        %add3A_290 = arith.addi %add3A_265, %add3A_289 : i32
        %dma_start3A_291 = arith.constant 0 : i32
        %dma_start3A_292 = tpu.memref_slice %arg6[%add3A_290, %dma_start3A_291] : memref<80x125xi32, #tpu.memory_space<vmem>> -> memref<1x125xi32, #tpu.memory_space<vmem>>
        %dma_start3A_293 = tpu.memref_squeeze %dma_start3A_292 : memref<1x125xi32, #tpu.memory_space<vmem>> -> memref<125xi32, #tpu.memory_space<vmem>>
        %dma_start3A_294 = arith.constant 0 : i32
        %dma_start3A_295 = arith.constant 0 : i32
        %dma_start3A_296 = tpu.memref_slice %arg3[%dma_start3A_294, %dma_start3A_295] : memref<10000x32xf32, #tpu.memory_space<hbm>> -> memref<10000x32xf32, #tpu.memory_space<hbm>>
        tpu.enqueue_indirect_dma source(%dma_start3A_296 : memref<10000x32xf32, #tpu.memory_space<hbm>>) target(%arg11 : memref<125x32xf32, #tpu.memory_space<vmem>>) offsets(%dma_start3A_293 : memref<125xi32, #tpu.memory_space<vmem>>) semaphore(%arg19 : memref<!tpu.dma_semaphore, #tpu.memory_space<semaphore_mem>>)
      } else {
      }
      %dma_start3A_283 = arith.constant 0 : i32
      %dma_start3A_284 = tpu.memref_slice %arg7[%add3A_265, %dma_start3A_283] : memref<80x125xi32, #tpu.memory_space<vmem>> -> memref<1x125xi32, #tpu.memory_space<vmem>>
      %dma_start3A_285 = tpu.memref_squeeze %dma_start3A_284 : memref<1x125xi32, #tpu.memory_space<vmem>> -> memref<125xi32, #tpu.memory_space<vmem>>
      %dma_start3A_286 = arith.constant 0 : i32
      %dma_start3A_287 = arith.constant 0 : i32
      %dma_start3A_288 = tpu.memref_slice %arg32[%dma_start3A_286, %dma_start3A_287] : memref<10112x32xf32, #tpu.memory_space<vmem_shared>> -> memref<10112x32xf32, #tpu.memory_space<vmem_shared>>
      tpu.enqueue_indirect_dma source(%arg15 : memref<125x32xf32, #tpu.memory_space<vmem>>) target(%dma_start3A_288 : memref<10112x32xf32, #tpu.memory_space<vmem_shared>>) offsets(%dma_start3A_285 : memref<125xi32, #tpu.memory_space<vmem>>) semaphore(%arg31 : memref<!tpu.dma_semaphore, #tpu.memory_space<semaphore_mem>>) {add = true}
    }
    %scan3A_39 = arith.constant 10 : i32
    %dma_wait3A = arith.constant 0 : i32
    %dma_wait3A_40 = arith.constant 0 : i32
    %dma_wait3A_41 = tpu.memref_slice %arg7[%dma_wait3A, %dma_wait3A_40] : memref<80x125xi32, #tpu.memory_space<vmem>> -> memref<1x125xi32, #tpu.memory_space<vmem>>
    %dma_wait3A_42 = tpu.memref_squeeze %dma_wait3A_41 : memref<1x125xi32, #tpu.memory_space<vmem>> -> memref<125xi32, #tpu.memory_space<vmem>>
    %dma_wait3A_43 = arith.constant 0 : i32
    %dma_wait3A_44 = arith.constant 0 : i32
    %dma_wait3A_45 = tpu.memref_slice %arg32[%dma_wait3A_43, %dma_wait3A_44] : memref<10112x32xf32, #tpu.memory_space<vmem_shared>> -> memref<10112x32xf32, #tpu.memory_space<vmem_shared>>
    tpu.wait_indirect_dma semaphore(%arg28 : memref<!tpu.dma_semaphore, #tpu.memory_space<semaphore_mem>>) src(%arg12 : memref<125x32xf32, #tpu.memory_space<vmem>>) dst(%dma_wait3A_45 : memref<10112x32xf32, #tpu.memory_space<vmem_shared>>)
    %dma_wait3A_46 = arith.constant 0 : i32
    %dma_wait3A_47 = arith.constant 0 : i32
    %dma_wait3A_48 = tpu.memref_slice %arg7[%dma_wait3A_46, %dma_wait3A_47] : memref<80x125xi32, #tpu.memory_space<vmem>> -> memref<1x125xi32, #tpu.memory_space<vmem>>
    %dma_wait3A_49 = tpu.memref_squeeze %dma_wait3A_48 : memref<1x125xi32, #tpu.memory_space<vmem>> -> memref<125xi32, #tpu.memory_space<vmem>>
    %dma_wait3A_50 = arith.constant 0 : i32
    %dma_wait3A_51 = arith.constant 0 : i32
    %dma_wait3A_52 = tpu.memref_slice %arg32[%dma_wait3A_50, %dma_wait3A_51] : memref<10112x32xf32, #tpu.memory_space<vmem_shared>> -> memref<10112x32xf32, #tpu.memory_space<vmem_shared>>
    tpu.wait_indirect_dma semaphore(%arg29 : memref<!tpu.dma_semaphore, #tpu.memory_space<semaphore_mem>>) src(%arg13 : memref<125x32xf32, #tpu.memory_space<vmem>>) dst(%dma_wait3A_52 : memref<10112x32xf32, #tpu.memory_space<vmem_shared>>)
    %dma_wait3A_53 = arith.constant 0 : i32
    %dma_wait3A_54 = arith.constant 0 : i32
    %dma_wait3A_55 = tpu.memref_slice %arg7[%dma_wait3A_53, %dma_wait3A_54] : memref<80x125xi32, #tpu.memory_space<vmem>> -> memref<1x125xi32, #tpu.memory_space<vmem>>
    %dma_wait3A_56 = tpu.memref_squeeze %dma_wait3A_55 : memref<1x125xi32, #tpu.memory_space<vmem>> -> memref<125xi32, #tpu.memory_space<vmem>>
    %dma_wait3A_57 = arith.constant 0 : i32
    %dma_wait3A_58 = arith.constant 0 : i32
    %dma_wait3A_59 = tpu.memref_slice %arg32[%dma_wait3A_57, %dma_wait3A_58] : memref<10112x32xf32, #tpu.memory_space<vmem_shared>> -> memref<10112x32xf32, #tpu.memory_space<vmem_shared>>
    tpu.wait_indirect_dma semaphore(%arg30 : memref<!tpu.dma_semaphore, #tpu.memory_space<semaphore_mem>>) src(%arg14 : memref<125x32xf32, #tpu.memory_space<vmem>>) dst(%dma_wait3A_59 : memref<10112x32xf32, #tpu.memory_space<vmem_shared>>)
    %dma_wait3A_60 = arith.constant 0 : i32
    %dma_wait3A_61 = arith.constant 0 : i32
    %dma_wait3A_62 = tpu.memref_slice %arg7[%dma_wait3A_60, %dma_wait3A_61] : memref<80x125xi32, #tpu.memory_space<vmem>> -> memref<1x125xi32, #tpu.memory_space<vmem>>
    %dma_wait3A_63 = tpu.memref_squeeze %dma_wait3A_62 : memref<1x125xi32, #tpu.memory_space<vmem>> -> memref<125xi32, #tpu.memory_space<vmem>>
    %dma_wait3A_64 = arith.constant 0 : i32
    %dma_wait3A_65 = arith.constant 0 : i32
    %dma_wait3A_66 = tpu.memref_slice %arg32[%dma_wait3A_64, %dma_wait3A_65] : memref<10112x32xf32, #tpu.memory_space<vmem_shared>> -> memref<10112x32xf32, #tpu.memory_space<vmem_shared>>
    tpu.wait_indirect_dma semaphore(%arg31 : memref<!tpu.dma_semaphore, #tpu.memory_space<semaphore_mem>>) src(%arg15 : memref<125x32xf32, #tpu.memory_space<vmem>>) dst(%dma_wait3A_66 : memref<10112x32xf32, #tpu.memory_space<vmem_shared>>)
    %barrier3A_67 = arith.constant 0 : index
    tpu.barrier barrier_id(%barrier3A_67)
    "tpu.region"() ({
      %run_scoped3A_68 = tpu.sem_alloc : memref<!tpu.dma_semaphore, #tpu.memory_space<semaphore_mem>>
      %dma_start3A_69 = arith.constant 0 : i32
      %dma_start3A_70 = tpu.memref_slice %arg5[%arg0, %mul3A_2, %dma_start3A_69] : memref<2x10112x32xf32, #tpu.memory_space<hbm>> -> memref<1x632x32xf32, #tpu.memory_space<hbm>>
      %dma_start3A_71 = tpu.memref_squeeze %dma_start3A_70 : memref<1x632x32xf32, #tpu.memory_space<hbm>> -> memref<632x32xf32, #tpu.memory_space<hbm>>
      %dma_start3A_72 = arith.constant 0 : i32
      %dma_start3A_73 = tpu.memref_slice %arg32[%mul3A_2, %dma_start3A_72] : memref<10112x32xf32, #tpu.memory_space<vmem_shared>> -> memref<632x32xf32, #tpu.memory_space<vmem_shared>>
      tpu.enqueue_dma source(%dma_start3A_73 : memref<632x32xf32, #tpu.memory_space<vmem_shared>>) target(%dma_start3A_71 : memref<632x32xf32, #tpu.memory_space<hbm>>) target_semaphore(%run_scoped3A_68 : memref<!tpu.dma_semaphore, #tpu.memory_space<semaphore_mem>>)
      %dma_wait3A_74 = arith.constant 0 : i32
      %dma_wait3A_75 = tpu.memref_slice %arg5[%arg0, %mul3A_2, %dma_wait3A_74] : memref<2x10112x32xf32, #tpu.memory_space<hbm>> -> memref<1x632x32xf32, #tpu.memory_space<hbm>>
      %dma_wait3A_76 = tpu.memref_squeeze %dma_wait3A_75 : memref<1x632x32xf32, #tpu.memory_space<hbm>> -> memref<632x32xf32, #tpu.memory_space<hbm>>
      %dma_wait3A_77 = arith.constant 0 : i32
      %dma_wait3A_78 = tpu.memref_slice %arg32[%mul3A_2, %dma_wait3A_77] : memref<10112x32xf32, #tpu.memory_space<vmem_shared>> -> memref<632x32xf32, #tpu.memory_space<vmem_shared>>
      tpu.wait_dma2 semaphore(%run_scoped3A_68 : memref<!tpu.dma_semaphore, #tpu.memory_space<semaphore_mem>>) src(%dma_wait3A_78 : memref<632x32xf32, #tpu.memory_space<vmem_shared>>) dst(%dma_wait3A_76 : memref<632x32xf32, #tpu.memory_space<hbm>>)
      tpu.yield
    }) : () -> ()
    return
  }
}

module attributes {stable_mosaic.version = 14 : i64} {
  func.func @body(%arg0: memref<10000x128xf32, #tpu.memory_space<vmem>>, %arg1: memref<128x64xf32, #tpu.memory_space<vmem>>, %arg2: memref<2x10112x16xf32, #tpu.memory_space<vmem>>, %arg3: memref<10000x64xf32, #tpu.memory_space<vmem>>, %arg4: memref<10000x1xf32, #tpu.memory_space<vmem>>) attributes {dimension_semantics = [], scalar_prefetch = 0 : i64, scratch_operands = 0 : i64, tpu.core_type = #tpu.core_type<tc>} {
    %get3A = arith.constant 0 : index
    %get3A_0 = arith.constant 0 : index
    %get3A_1 = arith.constant 0 : index
    %get3A_2 = vector.load %arg2[%get3A, %get3A_0, %get3A_1] : memref<2x10112x16xf32, #tpu.memory_space<vmem>>, vector<1x10000x16xf32>
    %get3A_3 = vector.shape_cast %get3A_2 : vector<1x10000x16xf32> to vector<10000x16xf32>
    %get3A_4 = arith.constant 1 : index
    %get3A_5 = arith.constant 0 : index
    %get3A_6 = arith.constant 0 : index
    %get3A_7 = vector.load %arg2[%get3A_4, %get3A_5, %get3A_6] : memref<2x10112x16xf32, #tpu.memory_space<vmem>>, vector<1x10000x16xf32>
    %get3A_8 = vector.shape_cast %get3A_7 : vector<1x10000x16xf32> to vector<10000x16xf32>
    %add3A = arith.addf %get3A_3, %get3A_8 : vector<10000x16xf32>
    %slice3A = vector.extract_strided_slice %add3A {offsets = [0, 0], sizes = [10000, 1], strides = [1, 1]} : vector<10000x16xf32> to vector<10000x1xf32>
    %add3A_9 = arith.constant 1.000000e+00 : f32
    %add3A_10 = vector.broadcast %add3A_9 : f32 to vector<10000x1xf32>
    %add3A_11 = arith.addf %slice3A, %add3A_10 : vector<10000x1xf32>
    %rsqrt3A = math.rsqrt %add3A_11 : vector<10000x1xf32>
    %swap3A = arith.constant 0 : index
    %swap3A_12 = arith.constant 0 : index
    %swap3A_13 = vector.load %arg4[%swap3A, %swap3A_12] : memref<10000x1xf32, #tpu.memory_space<vmem>>, vector<10000x1xf32>
    tpu.vector_store %arg4[%swap3A, %swap3A_12], %rsqrt3A {strides = array<i32>} : memref<10000x1xf32, #tpu.memory_space<vmem>>, vector<10000x1xf32>,
    %get3A_14 = arith.constant 0 : index
    %get3A_15 = arith.constant 0 : index
    %get3A_16 = vector.load %arg0[%get3A_14, %get3A_15] : memref<10000x128xf32, #tpu.memory_space<vmem>>, vector<10000x128xf32>
    %get3A_17 = arith.constant 0 : index
    %get3A_18 = arith.constant 0 : index
    %get3A_19 = vector.load %arg1[%get3A_17, %get3A_18] : memref<128x64xf32, #tpu.memory_space<vmem>>, vector<128x64xf32>
    %dot_general3A = arith.constant dense<0.000000e+00> : vector<10000x64xf32>
    %dot_general3A_20 = tpu.matmul %get3A_16, %get3A_19, %dot_general3A {dimension_numbers = #tpu.dot_dimension_numbers<[1], [0], [0], [1], [0, 0, 1, 1], [], []>, transpose_lhs_hint = false} : vector<10000x128xf32>, vector<128x64xf32>, vector<10000x64xf32> -> vector<10000x64xf32>
    %mul3A = vector.broadcast %rsqrt3A : vector<10000x1xf32> to vector<10000x64xf32>
    %mul3A_21 = arith.mulf %dot_general3A_20, %mul3A : vector<10000x64xf32>
    %swap3A_22 = arith.constant 0 : index
    %swap3A_23 = arith.constant 0 : index
    %swap3A_24 = vector.load %arg3[%swap3A_22, %swap3A_23] : memref<10000x64xf32, #tpu.memory_space<vmem>>, vector<10000x64xf32>
    tpu.vector_store %arg3[%swap3A_22, %swap3A_23], %mul3A_21 {strides = array<i32>} : memref<10000x64xf32, #tpu.memory_space<vmem>>, vector<10000x64xf32>,
    return
  }
}

module attributes {stable_mosaic.version = 14 : i64} {
  func.func @body(%arg0: memref<2x10112x64xf32, #tpu.memory_space<vmem>>, %arg1: memref<10000x64xf32, #tpu.memory_space<vmem>>, %arg2: memref<10000x1xf32, #tpu.memory_space<vmem>>, %arg3: memref<1x64xf32, #tpu.memory_space<vmem>>, %arg4: memref<64x32xf32, #tpu.memory_space<vmem>>, %arg5: memref<10000x32xf32, #tpu.memory_space<vmem>>) attributes {dimension_semantics = [], scalar_prefetch = 0 : i64, scratch_operands = 0 : i64, tpu.core_type = #tpu.core_type<tc>} {
    %get3A = arith.constant 0 : index
    %get3A_0 = arith.constant 0 : index
    %get3A_1 = vector.load %arg2[%get3A, %get3A_0] : memref<10000x1xf32, #tpu.memory_space<vmem>>, vector<10000x1xf32>
    %get3A_2 = arith.constant 0 : index
    %get3A_3 = arith.constant 0 : index
    %get3A_4 = arith.constant 0 : index
    %get3A_5 = vector.load %arg0[%get3A_2, %get3A_3, %get3A_4] : memref<2x10112x64xf32, #tpu.memory_space<vmem>>, vector<1x10000x64xf32>
    %get3A_6 = vector.shape_cast %get3A_5 : vector<1x10000x64xf32> to vector<10000x64xf32>
    %get3A_7 = arith.constant 1 : index
    %get3A_8 = arith.constant 0 : index
    %get3A_9 = arith.constant 0 : index
    %get3A_10 = vector.load %arg0[%get3A_7, %get3A_8, %get3A_9] : memref<2x10112x64xf32, #tpu.memory_space<vmem>>, vector<1x10000x64xf32>
    %get3A_11 = vector.shape_cast %get3A_10 : vector<1x10000x64xf32> to vector<10000x64xf32>
    %add3A = arith.addf %get3A_6, %get3A_11 : vector<10000x64xf32>
    %get3A_12 = arith.constant 0 : index
    %get3A_13 = arith.constant 0 : index
    %get3A_14 = vector.load %arg1[%get3A_12, %get3A_13] : memref<10000x64xf32, #tpu.memory_space<vmem>>, vector<10000x64xf32>
    %add3A_15 = arith.addf %add3A, %get3A_14 : vector<10000x64xf32>
    %mul3A = vector.broadcast %get3A_1 : vector<10000x1xf32> to vector<10000x64xf32>
    %mul3A_16 = arith.mulf %mul3A, %add3A_15 : vector<10000x64xf32>
    %get3A_17 = arith.constant 0 : index
    %get3A_18 = arith.constant 0 : index
    %get3A_19 = vector.load %arg3[%get3A_17, %get3A_18] : memref<1x64xf32, #tpu.memory_space<vmem>>, vector<1x64xf32>
    %add3A_20 = vector.broadcast %get3A_19 : vector<1x64xf32> to vector<10000x64xf32>
    %add3A_21 = arith.addf %mul3A_16, %add3A_20 : vector<10000x64xf32>
    %max3A = arith.constant 0.000000e+00 : f32
    %max3A_22 = vector.broadcast %max3A : f32 to vector<10000x64xf32>
    %max3A_23 = arith.maximumf %add3A_21, %max3A_22 : vector<10000x64xf32>
    %get3A_24 = arith.constant 0 : index
    %get3A_25 = arith.constant 0 : index
    %get3A_26 = vector.load %arg4[%get3A_24, %get3A_25] : memref<64x32xf32, #tpu.memory_space<vmem>>, vector<64x32xf32>
    %dot_general3A = arith.constant dense<0.000000e+00> : vector<10000x32xf32>
    %dot_general3A_27 = tpu.matmul %max3A_23, %get3A_26, %dot_general3A {dimension_numbers = #tpu.dot_dimension_numbers<[1], [0], [0], [1], [0, 0, 1, 1], [], []>, transpose_lhs_hint = false} : vector<10000x64xf32>, vector<64x32xf32>, vector<10000x32xf32> -> vector<10000x32xf32>
    %mul3A_28 = vector.broadcast %get3A_1 : vector<10000x1xf32> to vector<10000x32xf32>
    %mul3A_29 = arith.mulf %dot_general3A_27, %mul3A_28 : vector<10000x32xf32>
    %swap3A = arith.constant 0 : index
    %swap3A_30 = arith.constant 0 : index
    %swap3A_31 = vector.load %arg5[%swap3A, %swap3A_30] : memref<10000x32xf32, #tpu.memory_space<vmem>>, vector<10000x32xf32>
    tpu.vector_store %arg5[%swap3A, %swap3A_30], %mul3A_29 {strides = array<i32>} : memref<10000x32xf32, #tpu.memory_space<vmem>>, vector<10000x32xf32>,
    return
  }
}

module attributes {stable_mosaic.version = 14 : i64} {
  func.func @body(%arg0: memref<2x10112x32xf32, #tpu.memory_space<vmem>>, %arg1: memref<10000x32xf32, #tpu.memory_space<vmem>>, %arg2: memref<10000x1xf32, #tpu.memory_space<vmem>>, %arg3: memref<1x32xf32, #tpu.memory_space<vmem>>, %arg4: memref<32x64xf32, #tpu.memory_space<vmem>>, %arg5: memref<1x64xf32, #tpu.memory_space<vmem>>, %arg6: memref<64x128xf32, #tpu.memory_space<vmem>>, %arg7: memref<1x128xf32, #tpu.memory_space<vmem>>, %arg8: memref<10000x128xf32, #tpu.memory_space<vmem>>) attributes {dimension_semantics = [], scalar_prefetch = 0 : i64, scratch_operands = 0 : i64, tpu.core_type = #tpu.core_type<tc>} {
    %get3A = arith.constant 0 : index
    %get3A_0 = arith.constant 0 : index
    %get3A_1 = vector.load %arg2[%get3A, %get3A_0] : memref<10000x1xf32, #tpu.memory_space<vmem>>, vector<10000x1xf32>
    %get3A_2 = arith.constant 0 : index
    %get3A_3 = arith.constant 0 : index
    %get3A_4 = arith.constant 0 : index
    %get3A_5 = vector.load %arg0[%get3A_2, %get3A_3, %get3A_4] : memref<2x10112x32xf32, #tpu.memory_space<vmem>>, vector<1x10000x32xf32>
    %get3A_6 = vector.shape_cast %get3A_5 : vector<1x10000x32xf32> to vector<10000x32xf32>
    %get3A_7 = arith.constant 1 : index
    %get3A_8 = arith.constant 0 : index
    %get3A_9 = arith.constant 0 : index
    %get3A_10 = vector.load %arg0[%get3A_7, %get3A_8, %get3A_9] : memref<2x10112x32xf32, #tpu.memory_space<vmem>>, vector<1x10000x32xf32>
    %get3A_11 = vector.shape_cast %get3A_10 : vector<1x10000x32xf32> to vector<10000x32xf32>
    %add3A = arith.addf %get3A_6, %get3A_11 : vector<10000x32xf32>
    %get3A_12 = arith.constant 0 : index
    %get3A_13 = arith.constant 0 : index
    %get3A_14 = vector.load %arg1[%get3A_12, %get3A_13] : memref<10000x32xf32, #tpu.memory_space<vmem>>, vector<10000x32xf32>
    %add3A_15 = arith.addf %add3A, %get3A_14 : vector<10000x32xf32>
    %mul3A = vector.broadcast %get3A_1 : vector<10000x1xf32> to vector<10000x32xf32>
    %mul3A_16 = arith.mulf %mul3A, %add3A_15 : vector<10000x32xf32>
    %get3A_17 = arith.constant 0 : index
    %get3A_18 = arith.constant 0 : index
    %get3A_19 = vector.load %arg3[%get3A_17, %get3A_18] : memref<1x32xf32, #tpu.memory_space<vmem>>, vector<1x32xf32>
    %add3A_20 = vector.broadcast %get3A_19 : vector<1x32xf32> to vector<10000x32xf32>
    %add3A_21 = arith.addf %mul3A_16, %add3A_20 : vector<10000x32xf32>
    %max3A = arith.constant 0.000000e+00 : f32
    %max3A_22 = vector.broadcast %max3A : f32 to vector<10000x32xf32>
    %max3A_23 = arith.maximumf %add3A_21, %max3A_22 : vector<10000x32xf32>
    %get3A_24 = arith.constant 0 : index
    %get3A_25 = arith.constant 0 : index
    %get3A_26 = vector.load %arg4[%get3A_24, %get3A_25] : memref<32x64xf32, #tpu.memory_space<vmem>>, vector<32x64xf32>
    %dot_general3A = arith.constant dense<0.000000e+00> : vector<10000x64xf32>
    %dot_general3A_27 = tpu.matmul %max3A_23, %get3A_26, %dot_general3A {dimension_numbers = #tpu.dot_dimension_numbers<[1], [0], [0], [1], [0, 0, 1, 1], [], []>, transpose_lhs_hint = false} : vector<10000x32xf32>, vector<32x64xf32>, vector<10000x64xf32> -> vector<10000x64xf32>
    %get3A_28 = arith.constant 0 : index
    %get3A_29 = arith.constant 0 : index
    %get3A_30 = vector.load %arg5[%get3A_28, %get3A_29] : memref<1x64xf32, #tpu.memory_space<vmem>>, vector<1x64xf32>
    %add3A_31 = vector.broadcast %get3A_30 : vector<1x64xf32> to vector<10000x64xf32>
    %add3A_32 = arith.addf %dot_general3A_27, %add3A_31 : vector<10000x64xf32>
    %max3A_33 = arith.constant 0.000000e+00 : f32
    %max3A_34 = vector.broadcast %max3A_33 : f32 to vector<10000x64xf32>
    %max3A_35 = arith.maximumf %add3A_32, %max3A_34 : vector<10000x64xf32>
    %get3A_36 = arith.constant 0 : index
    %get3A_37 = arith.constant 0 : index
    %get3A_38 = vector.load %arg6[%get3A_36, %get3A_37] : memref<64x128xf32, #tpu.memory_space<vmem>>, vector<64x128xf32>
    %dot_general3A_39 = arith.constant dense<0.000000e+00> : vector<10000x128xf32>
    %dot_general3A_40 = tpu.matmul %max3A_35, %get3A_38, %dot_general3A_39 {dimension_numbers = #tpu.dot_dimension_numbers<[1], [0], [0], [1], [0, 0, 1, 1], [], []>, transpose_lhs_hint = false} : vector<10000x64xf32>, vector<64x128xf32>, vector<10000x128xf32> -> vector<10000x128xf32>
    %get3A_41 = arith.constant 0 : index
    %get3A_42 = arith.constant 0 : index
    %get3A_43 = vector.load %arg7[%get3A_41, %get3A_42] : memref<1x128xf32, #tpu.memory_space<vmem>>, vector<1x128xf32>
    %add3A_44 = vector.broadcast %get3A_43 : vector<1x128xf32> to vector<10000x128xf32>
    %add3A_45 = arith.addf %dot_general3A_40, %add3A_44 : vector<10000x128xf32>
    %swap3A = arith.constant 0 : index
    %swap3A_46 = arith.constant 0 : index
    %swap3A_47 = vector.load %arg8[%swap3A, %swap3A_46] : memref<10000x128xf32, #tpu.memory_space<vmem>>, vector<10000x128xf32>
    tpu.vector_store %arg8[%swap3A, %swap3A_46], %add3A_45 {strides = array<i32>} : memref<10000x128xf32, #tpu.memory_space<vmem>>, vector<10000x128xf32>,
    return
  }
}

</mosaic_0001>

<sc_bundles>
// kernel: kernel.11.cloned.1.call-start
scs
__scs_entry_jumppad:
0x0: {  	(pc) =	sbr.rel $0x88, $3  }
0x1: {  	(tag) =	ssettag $0x0;
	lr =	simm.s32 $0x1  }
0x2: {  	[smem:$0x3F97] =	sst lr;
	_ =	strace $0xD0000000  }
0x3: {  	_ = 	snop  }
0x4: {  	_ = 	snop  }
0x5: {  	_ = 	snop  }
0x6: {  	_ = 	snop  }
0x7: {  	_ = 	snop  }
__scs_overlays_trampoline_lowered:
0x8: {  	[smem:$0x3FA6] =	sst s0  }
0x9: {  	[smem:$0x3FA7] =	sst s1  }
0xa: {  	[smem:$0x3FA8] =	sst s2  }
0xb: {  	[smem:$0x3FA9] =	sst s3  }
0xc: {  	[smem:$0x3FAA] =	sst s4  }
0xd: {  	[smem:$0x3FAB] =	sst s5  }
0xe: {  	[smem:$0x3FAC] =	sst s6  }
0xf: {  	[smem:$0x3FAD] =	sst s7  }
0x10: {  	[smem:$0x3FAE] =	sst s8  }
0x11: {  	[smem:$0x3FAF] =	sst s9;
	s0 =	simm.s32 @!p0 $0x0  }
0x12: {  	s1 =	sld [smem:$0x3F95];
	s0 =	simm.s32 @p0 $0x1  }
0x13: {  	[smem:$0x3FB0] =	sst s0;
	s0 =	simm.s32 @!p1 $0x0  }
0x14: {  	s2 =	sld [smem:$0x3F94];
	s0 =	simm.s32 @p1 $0x1  }
0x15: {  	[smem:$0x3FB1] =	sst s0;
	s0 =	simm.s32 @!p2 $0x0  }
0x16: {  	s3 =	sld [smem:$0x3FDB];
	s0 =	simm.s32 @p2 $0x1  }
0x17: {  	s4 =	simm.s32 $0x1BF5;
	[smem:$0x3FB3] =	sst s0  }
0x18: {  	s0 =	sld [smem:$0x3F96];
	_ =	swait.ge [sflag:s4], $0x0  }
0x19: {  	s7 =	sld [smem:$0x3F97]  }
0x1a: {  	s8 =	sadd.s32 $0xFFFFE003, lr  }
0x1b: {  	s9 =	sadd.s32 $0xFFFFFEF7, lr;
	s5 =	simm.s32 $0xFFFFFFFF;
	p2 =	slt.u32 s8, $0xFFFFF086  }
0x1c: {  	p1 =	slt.u32 s9, $0xF7A;
	s5 =	simm.s32 @!p2 $0x0  }
0x1d: {  	s5 =	simm.s32 @p1 $0x1;
	p0 =	seq.s32 s7, s2  }
0x1e: {  	s7 =	smul.u32 @!p0 $0xF7A, s2;
	p2 =	seq.s32 @!p0 s5, $0x0  }
0x1f: {  	s9 =	smul.u32 $0xF7A, s1;
	s8 =	simm.s32 @!p0 $0x1BF5;
	p2 =	por !p2, p0  }
0x20: {  	[sflag:s8] =	ssyncset.s32 @!p0 $0xFFFFF086;
	s6 =	sadd.s32 @!p0 s3, s7;
	s7 =	simm.s32 @!p0 $0x108  }
0x21: {  	s3 =	sadd.s32 s3, s9;
	s6 =	sadd.s32 @!p0 $0x88, s6;
	s7 =	simm.s32 @p2 $0x1082  }
0x22: {  	[simem:s7], [sflag:s8] =	dma.local @!p0 [hbm:s6], $0xF7A  }
0x23: {  	s9 =	sor.u32 $0xD0000000, s2;
	s6 =	simm.s32 $0x108;
	_ =	swait.ge @!p0 [sflag:s8], $0x0  }
0x24: {  	s3 =	sadd.s32 $0x88, s3;
	s6 =	simm.s32 @!p1 $0x1082;
	[sflag:s4] =	ssyncset.s32 $0xFFFFF086  }
0x25: {  	[simem:s6], [sflag:s4] =	dma.local [hbm:s3], $0xF7A  }
0x26: {  	[smem:$0x3F97] =	sst s1;
	(tag) =	ssettag s2;
	_ =	strace s9  }
0x27: {  	s1 =	sld [smem:$0x3FA7]  }
0x28: {  	s2 =	sld [smem:$0x3FA8]  }
0x29: {  	s4 =	sld [smem:$0x3FAA]  }
0x2a: {  	p0 =	seq.s32 s5, $0x0;
	s5 =	sld [smem:$0x3FAB]  }
0x2b: {  	s6 =	sld [smem:$0x3FAC]  }
0x2c: {  	s7 =	sld [smem:$0x3FAD]  }
0x2d: {  	s3 =	simm.s32 $0x108;
	s8 =	sld [smem:$0x3FAE]  }
0x2e: {  	s3 =	simm.s32 @!p0 $0x1082;
	s9 =	sld [smem:$0x3FAF]  }
0x2f: {  	lr =	sadd.s32 s0, s3;
	s0 =	sld [smem:$0x3FA6]  }
0x30: {  	s3 =	sld [smem:$0x3FA9]  }
0x31: {  	[smem:$0x3FB2] =	sst s10  }
0x32: {  	s10 =	sld [smem:$0x3FB0];
	_ =	sdelay $0x3  }
0x33: {  	p0 =	seq.s32 s10, $0x1;
	s10 =	sld [smem:$0x3FB2];
	_ =	sdelay $0x3  }
0x34: {  	[smem:$0x3FB2] =	sst s10  }
0x35: {  	s10 =	sld [smem:$0x3FB1];
	_ =	sdelay $0x3  }
0x36: {  	p1 =	seq.s32 s10, $0x1;
	s10 =	sld [smem:$0x3FB2];
	_ =	sdelay $0x3  }
0x37: {  	[smem:$0x3FB2] =	sst s10  }
0x38: {  	s10 =	sld [smem:$0x3FB3]  }
0x39: {  	_ = 	snop;
	(pc) =	sbr.ind lr, $3  }
0x3a: {  	_ = 	snop  }
0x3b: {  	_ = 	snop  }
0x3c: {  	p2 =	seq.s32 s10, $0x1;
	s10 =	sld [smem:$0x3FB2]  }
0x3d: {  	_ =	shalt  }
0x3e: {  	_ =	shalt  }
0x3f: {  	_ =	shalt  }
0x40: {  	_ =	shalt  }
0x41: {  	_ =	shalt  }
0x42: {  	_ =	shalt  }
0x43: {  	_ =	shalt  }
0x44: {  	_ =	shalt  }
0x45: {  	_ =	shalt  }
0x46: {  	_ =	shalt  }
0x47: {  	_ =	shalt  }
0x48: {  	_ =	shalt  }
0x49: {  	_ =	shalt  }
0x4a: {  	_ =	shalt  }
0x4b: {  	_ =	shalt  }
0x4c: {  	_ =	shalt  }
0x4d: {  	_ =	shalt  }
0x4e: {  	_ =	shalt  }
0x4f: {  	_ =	shalt  }
0x50: {  	_ =	shalt  }
0x51: {  	_ =	shalt  }
0x52: {  	_ =	shalt  }
0x53: {  	_ =	shalt  }
0x54: {  	_ =	shalt  }
0x55: {  	_ =	shalt  }
0x56: {  	_ =	shalt  }
0x57: {  	_ =	shalt  }
0x58: {  	_ =	shalt  }
0x59: {  	_ =	shalt  }
0x5a: {  	_ =	shalt  }
0x5b: {  	_ =	shalt  }
0x5c: {  	_ =	shalt  }
0x5d: {  	_ =	shalt  }
0x5e: {  	_ =	shalt  }
0x5f: {  	_ =	shalt  }
0x60: {  	_ =	shalt  }
0x61: {  	_ =	shalt  }
0x62: {  	_ =	shalt  }
0x63: {  	_ =	shalt  }
0x64: {  	_ =	shalt  }
0x65: {  	_ =	shalt  }
0x66: {  	_ =	shalt  }
0x67: {  	_ =	shalt  }
0x68: {  	_ =	shalt  }
0x69: {  	_ =	shalt  }
0x6a: {  	_ =	shalt  }
0x6b: {  	_ =	shalt  }
0x6c: {  	_ =	shalt  }
0x6d: {  	_ =	shalt  }
0x6e: {  	_ =	shalt  }
0x6f: {  	_ =	shalt  }
0x70: {  	_ =	shalt  }
0x71: {  	_ =	shalt  }
0x72: {  	_ =	shalt  }
0x73: {  	_ =	shalt  }
0x74: {  	_ =	shalt  }
0x75: {  	_ =	shalt  }
0x76: {  	_ =	shalt  }
0x77: {  	_ =	shalt  }
0x78: {  	_ =	shalt  }
0x79: {  	_ =	shalt  }
0x7a: {  	_ =	shalt  }
0x7b: {  	_ =	shalt  }
0x7c: {  	_ =	shalt  }
0x7d: {  	_ =	shalt  }
0x7e: {  	_ =	shalt  }
0x7f: {  	_ =	shalt  }
0x80: {  	_ =	shalt  }
0x81: {  	_ =	shalt  }
0x82: {  	_ =	shalt  }
0x83: {  	_ =	shalt  }
0x84: {  	_ =	shalt  }
0x85: {  	_ =	shalt  }
0x86: {  	_ =	shalt  }
0x87: {  	_ =	shalt  }
.Lfunc_end0:
.L_simem_size_0:
called_computation.1_lowered:
.L_overlay_start_0:
0x88: {  	s2 =	sld [smem:$0x3FD9]  }
0x89: {  	s3 =	sld [smem:$0x3FFE];
	_ =	sdelay $0x1  }
0x8a: {  	s1 =	srdreg.scid  }
0x8b: {  	s0 =	sand.u32 $0x1, s1  }
0x8c: {  	s17 =	sshll.u32 s0, $0xA;
	s2 =	sadd.s32 s3, s2  }
0x8d: {  	s2 =	sadd.s32 s2, s17  }
0x8e: {  	[smem:$0x3FBE] =	sst s2  }
0x8f: {  	_ = 	snop  }
0x90: {  	s2 =	sld [smem:$0x3FD0];
	(tm) =	ssettm $0x1  }
0x91: {  	s18 =	sld [smem:$0x3FFB];
	_ =	sdelay $0x3  }
0x92: {  	_ =	strace s18  }
0x93: {  	s3 =	sld [smem:$0x3FFC];
	_ =	sdelay $0x3  }
0x94: {  	_ =	strace s3  }
0x95: {  	s3 =	sld [smem:$0x3FFD];
	_ =	sdelay $0x3  }
0x96: {  	_ =	strace s3  }
0x97: {  	_ =	strace $0x8FFFFFFF  }
0x98: {  	s19 =	sld [smem:$0x3FDB];
	_ =	sdelay $0x1  }
0x99: {  	s4 =	simm.s32 $_scs_section_size  }
0x9a: {  	s5 =	simm.s32 $_size__tile_overlayer_lowered;
	s6 =	simm.s32 $_tile_overlayer_lowered  }
0x9b: {  	s22 =	simm.s32 $0x1BFF;
	s21 =	sshll.u32 s6, $0x1;
	s3 =	sadd.s32 s4, s19  }
0x9c: {  	s7 =	simm.s32 $0x0;
	s20 =	sshll.u32 s5, $0x1;
	s5 =	sadd.s32 s21, s3  }
0x9d: {  	[timem:s7], [sflag:s22] =	dma.local [hbm:s5], s20  }
0x9e: {  	_ =	swait.ge [sflag:s22], s20  }
0x9f: {  	s4 =	ssub.s32 $0x0, s20;
	[sflag:s22] =	ssyncset.done $0x0  }
0xa0: {  	[sflag:s22] =	ssyncadd.s32 s4;
	_ =	sdelay $0x1  }
0xa1: {  	s23 =	simm.s32 $0x1B8B  }
0xa2: {  	_ =	swait.ge [sflag:s23], $0x1  }
0xa3: {  	[sflag:s23] =	ssyncset.done $0x0  }
0xa4: {  	s25 =	simm.s32 $0x1B8E;
	s24 =	sld [smem:$0x3FFE];
	[sflag:s23] =	ssyncadd.s32 $0xFFFFFFFF  }
0xa5: {  	s26 =	simm.s32 $execute0_lowered;
	[smem:$0x3FD2] =	sst s25  }
0xa6: {  	s5 =	sshll.u32 s26, $0x1;
	_ =	strace $0x80000049;
	[dreg:$0x1] =	wrdreg $0xFFFFFFFF  }
0xa7: {  	s28 =	simm.s32 $_size_execute0_lowered;
	s3 =	sadd.s32 s3, s5;
	[dreg:$0x0] =	wrdreg $0x0  }
0xa8: {  	s5 =	sshll.u32 s28, $0x1;
	[dreg:$0x2] =	wrdreg s3  }
0xa9: {  	[dreg:$0x3] =	wrdreg s5  }
0xaa: {  	[dreg:$0x4] =	wrdreg $0xC0  }
0xab: {  	_ =	task [dreg:s7], $0x5FFFF  }
0xac: {  	[dreg:$0x1] =	wrdreg $0xFFFFFFFF  }
0xad: {  	[dreg:$0x0] =	wrdreg $0x60  }
0xae: {  	[dreg:$0x2] =	wrdreg s2  }
0xaf: {  	[dreg:$0x3] =	wrdreg s24  }
0xb0: {  	[dreg:$0x4] =	wrdreg $0x14A000  }
0xb1: {  	[dreg:$0x5] =	wrdreg $0x9  }
0xb2: {  	_ =	task.clear_ibuf [dreg:s7], $0x6FFFF;
	_ =	strace $0x90000049  }
0xb3: {  	s29 =	simm.s32 $0x9;
	_ =	strace $0x8000004B  }
0xb4: {  	_ =	swait.ge [sflag:s29], $0x1  }
0xb5: {  	[sflag:s29] =	ssyncadd.s32 $0xFFFFFFFF  }
0xb6: {  	_ =	strace $0x9000004B  }
0xb7: {  	_ =	sfence  }
0xb8: {  	s30 =	sld [smem:$0x0];
	_ =	sdelay $0x2  }
0xb9: {  	s31 =	sshll.u32 s1, $0xD;
	s1 =	sshrl.u32 s1, $0x2  }
0xba: {  	s3 =	sand.u32 $0x4000, s31;
	s1 =	sadd.s32 s1, s30  }
0xbb: {  	s0 =	sor.u32 s3, s0;
	s1 =	sshll.u32 s1, $0x11  }
0xbc: {  	s0 =	sor.u32 s1, s0  }
0xbd: {  	s0 =	sadd.s32 $0x8F2B, s0  }
0xbe: {  	[sflag:s0] =	ssyncadd.remote.s32 $0x1  }
0xbf: {  	_ =	sfence.sel $0xFFFF  }
0xc0: {  	[dreg:$0x0] =	wrdreg $0xFFFFFFFF;
	(pc) =	sbr.abs _section_cstart, $3  }
0xc1: {  	[dreg:$0x1] =	wrdreg $0xFFFFFFFF  }
0xc2: {  	_ =	task.clear_ibuf [dreg:s7], $0x2FFFF;
	_ =	strace $0x9FFFFFFF  }
0xc3: {  	(tm) =	ssettm $0x7FFFFFFF  }
tec
execute0_lowered:
.L_overlay_start_1:
0x0: {  	(tag) =	ssettag $0x1  }
0x1: {  	s0 =	rddreg [dreg:$0x0]  }
0x2: {  	s1 =	rddreg [dreg:$0x1]  }
0x3: {  	s2 =	rddreg [dreg:$0x2];
	s3 =	srdreg.scid  }
0x4: {  	s8 =	stileid.u32;
	s4 =	simm.s32 $0x0;
	s12 =	simm.s32 $0x11  }
0x5: {  	s14 =	simm.s32 $0x7D;
	s15 =	simm.s32 $0x5000;
	s17 =	simm.s32 $0x6F40  }
0x6: {  	s19 =	simm.s32 $0x8E80;
	s21 =	simm.s32 $0xADC0;
	s22 =	simm.s32 $0x1  }
0x7: {  	s28 =	simm.s32 $0x10B80;
	s29 =	simm.s32 $0x4;
	s30 =	simm.s32 $0x12AC0  }
0x8: {  	s31 =	simm.s32 $0x5;
	s13 =	simm.s32 $0xB;
	s16 =	simm.s32 $0x8  }
0x9: {  	s18 =	simm.s32 $0xC;
	s10 =	simm.s32 $0x0;
	s3 =	sand.u32 $0x1, s3  }
0xa: {  	s5 =	smul.u32 $0x9E00, s8;
	[smem:$0x7FF] =	sst s4;
	s7 =	sshll.u32 s8, $0x1  }
0xb: {  	s4 =	sadd.s32 $0x2600, s1;
	s9 =	sadd.s32 $0x16000, s1;
	s24 =	sshll.u32 s8, $0x6  }
0xc: {  	s6 =	smul.u32 $0x9E000, s3;
	s7 =	sor.u32 s3, s7;
	s3 =	ssub.s32 $0x2, s3  }
0xd: {  	_ =	strace $0x8000004A;
	[dreg:$0x4] =	wrdreg s9;
	s23 =	sshrl.u32 s3, $0x1  }
0xe: {  	s7 =	smul.u32 $0x2800, s7;
	s6 =	sadd.s32 s5, s6;
	s3 =	ssub.s32 s3, s23  }
0xf: {  	s5 =	sadd.s32 s5, s2;
	s23 =	simm.s32 $0xCD00;
	s6 =	sshrl.u32 s6, $0x3  }
0x10: {  	s7 =	sshrl.u32 s7, $0x3;
	s26 =	smax.u32 s3, $0x1;
	s11 =	sshrl.u32 s5, $0x3  }
.Ltmp0:
0x11: {  	s1 =	sadd.s32 s6, s1;
	s6 =	sor.u32 $0x1C11, s24;
	(pc) =	sbr.rel .LBB2_1-.Ltmp0, $4  }
0x12: {  	s0 =	sadd.s32 s0, s7;
	[dreg:$0x8] =	wrdreg s26;
	s24 =	simm.s32 $0x2  }
0x13: {  	s26 =	simm.s32 $0x3;
	[dreg:$0x5] =	wrdreg s0;
	s0 =	sadd.s32 $0xA000, s0  }
0x14: {  	s25 =	sadd.s32 $0x17400, s1;
	s1 =	simm.s32 $0x7;
	[dreg:$0x6] =	wrdreg s0  }
0x15: {  	[dreg:$0x7] =	wrdreg s25;
	s25 =	simm.s32 $0xEC40;
	s0 =	simm.s32 $0x9  }
.LBB2_4:
0x16: {  	[spmem:s2] =	stream.indirect.scatter.add.f32 [tilespmem:s28], [sflag:$0xF], $0x40, s20, s14, $0xb8;
	[tilespmem:$0x1E800] =	vst v63  }
0x17: {  	_ =	swait.ge [sflag:s16], $0x1F40  }
0x18: {  	[sflag:s16] =	ssyncset.done $0x0  }
0x19: {  	[sflag:s16] =	ssyncadd.s32 $0xFFFFE0C0  }
0x1a: {  	_ =	swait.ge [sflag:s18], $0x1F40  }
0x1b: {  	[sflag:s18] =	ssyncset.done $0x0  }
0x1c: {  	s3 =	sadd.s32 $0x2B80, s3;
	s20 =	simm.s32 $0xD;
	[sflag:s18] =	ssyncadd.s32 $0xFFFFE0C0  }
0x1d: {  	[spmem:s2] =	stream.indirect.scatter.add.f32 [tilespmem:s30], [sflag:$0x10], $0x40, s3, s14, $0xb8;
	[tilespmem:$0x1E800] =	vst v63  }
0x1e: {  	_ =	swait.ge [sflag:s20], $0x1F40  }
0x1f: {  	[sflag:s20] =	ssyncset.done $0x0  }
0x20: {  	s5 =	simm.s32 $0xE;
	[sflag:s20] =	ssyncadd.s32 $0xFFFFE0C0  }
0x21: {  	_ =	swait.ge [sflag:s5], $0x1F40  }
0x22: {  	[sflag:s5] =	ssyncset.done $0x0  }
0x23: {  	s7 =	simm.s32 $0xF;
	[sflag:s5] =	ssyncadd.s32 $0xFFFFE0C0  }
0x24: {  	_ =	swait.ge [sflag:s7], $0x1F40  }
0x25: {  	[sflag:s7] =	ssyncset.done $0x0  }
0x26: {  	s8 =	simm.s32 $0x10;
	[sflag:s7] =	ssyncadd.s32 $0xFFFFE0C0  }
0x27: {  	_ =	swait.ge [sflag:s8], $0x1F40  }
0x28: {  	[sflag:s8] =	ssyncset.done $0x0  }
0x29: {  	[sflag:s8] =	ssyncadd.s32 $0xFFFFE0C0  }
0x2a: {  	[bflag:$0x0] =	sbarrier.arrive $0xFFFF  }
0x2b: {  	s9 =	rddreg [dreg:$0x7]  }
0x2c: {  	[hbm:s9], [sflag:s6] =	dma.local [spmem:s11], $0x13C0  }
0x2d: {  	_ =	swait.ge [sflag:s12], $0x13C0  }
0x2e: {  	s10 =	sadd.s32 $0x1, s10;
	s20 =	rddreg [dreg:$0x8]  }
0x2f: {  	p0 =	sne.s32 s10, s20  }
.Ltmp1:
0x30: {  	_ = 	snop;
	(pc) =	sbr.rel @!p0 .LBB2_5-.Ltmp1, $3  }
0x31: {  	_ =	sdelay $0x1  }
0x32: {  	[sflag:s12] =	ssyncset.done $0x0  }
0x33: {  	[sflag:s12] =	ssyncadd.s32 $0xFFFFEC40  }
.LBB2_1:
0x34: {  	s3 =	rddreg [dreg:$0x4]  }
0x35: {  	[spmem:s11], [sflag:s6] =	dma.local [hbm:s3], $0x13C0  }
0x36: {  	_ =	swait.ge [sflag:s12], $0x13C0  }
0x37: {  	[sflag:s12] =	ssyncset.done $0x0  }
0x38: {  	s9 =	simm.s32 $0x0;
	s5 =	rddreg [dreg:$0x5];
	[sflag:s12] =	ssyncadd.s32 $0xFFFFEC40  }
0x39: {  	[tilespmem:s9], [sflag:$0x11] =	stream.linear.gather [hbm4b:s5+s9], $0x2800, $0x38;
	[tilespmem:$0x1E800] =	vst v63  }
0x3a: {  	_ =	swait.ge [sflag:s12], $0x2800  }
0x3b: {  	[sflag:s12] =	ssyncset.done $0x0  }
0x3c: {  	s7 =	simm.s32 $0x2800;
	s20 =	rddreg [dreg:$0x6];
	[sflag:s12] =	ssyncadd.s32 $0xFFFFD800  }
0x3d: {  	[tilespmem:s7], [sflag:$0x11] =	stream.linear.gather [hbm4b:s20+s9], $0x2800, $0x38;
	[tilespmem:$0x1E800] =	vst v63  }
0x3e: {  	_ =	swait.ge [sflag:s12], $0x2800  }
0x3f: {  	[sflag:s12] =	ssyncset.done $0x0  }
0x40: {  	[sflag:s12] =	ssyncadd.s32 $0xFFFFD800  }
0x41: {  	[bflag:$0x0] =	sbarrier.arrive $0xFFFF  }
0x42: {  	[tilespmem:s15], [sflag:$0x1] =	stream.indirect.gather [hbm4b:s4+s14], $0x40, s9, s14, $0xb8;
	[tilespmem:$0x1E800] =	vst v63  }
0x43: {  	s8 =	simm.s32 $0x80  }
0x44: {  	[tilespmem:s17], [sflag:$0x2] =	stream.indirect.gather [hbm4b:s4+s14], $0x40, s8, s14, $0xb8;
	[tilespmem:$0x1E800] =	vst v63  }
0x45: {  	s9 =	simm.s32 $0x100  }
0x46: {  	[tilespmem:s19], [sflag:$0x3] =	stream.indirect.gather [hbm4b:s4+s14], $0x40, s9, s14, $0xb8;
	[tilespmem:$0x1E800] =	vst v63  }
0x47: {  	s20 =	simm.s32 $0x180;
	s7 =	simm.s32 $0x0  }
0x48: {  	[tilespmem:s21], [sflag:$0x4] =	stream.indirect.gather [hbm4b:s4+s14], $0x40, s20, s14, $0xb8;
	[tilespmem:$0x1E800] =	vst v63  }
.LBB2_2:
0x49: {  	_ =	swait.ge [sflag:s22], $0x1F40  }
0x4a: {  	p0 =	seq.s32 s7, $0x0;
	[sflag:s22] =	ssyncset.done $0x0  }
0x4b: {  	s20 =	simm.s32 @!p0 $0xD;
	[sflag:s22] =	ssyncadd.s32 $0xFFFFE0C0  }
0x4c: {  	_ =	swait.ge @!p0 [sflag:s20], $0x1F40  }
0x4d: {  	s3 =	sshra.s32 s7, $0x2;
	[sflag:s20] =	ssyncset.done @!p0 $0x0  }
0x4e: {  	s8 =	sadd.s32 $0x200, s3;
	[sflag:s20] =	ssyncadd.s32 @!p0 $0xFFFFE0C0  }
0x4f: {  	[tilespmem:s23], [sflag:$0x5] =	stream.indirect.gather [hbm4b:s4+s14], $0x40, s8, s14, $0xb8;
	[tilespmem:$0x1E800] =	vst v63  }
0x50: {  	s9 =	sadd.s32 $0x2800, s3  }
0x51: {  	[spmem:s2] =	stream.indirect.scatter.add.f32 [tilespmem:s15], [sflag:$0x9], $0x40, s9, s14, $0xb8;
	[tilespmem:$0x1E800] =	vst v63  }
0x52: {  	_ =	swait.ge [sflag:s24], $0x1F40  }
0x53: {  	[sflag:s24] =	ssyncset.done $0x0  }
0x54: {  	s20 =	simm.s32 @!p0 $0xE;
	[sflag:s24] =	ssyncadd.s32 $0xFFFFE0C0  }
0x55: {  	_ =	swait.ge @!p0 [sflag:s20], $0x1F40  }
0x56: {  	[sflag:s20] =	ssyncset.done @!p0 $0x0  }
0x57: {  	s5 =	sadd.s32 $0x280, s3;
	[sflag:s20] =	ssyncadd.s32 @!p0 $0xFFFFE0C0  }
0x58: {  	[tilespmem:s25], [sflag:$0x6] =	stream.indirect.gather [hbm4b:s4+s14], $0x40, s5, s14, $0xb8;
	[tilespmem:$0x1E800] =	vst v63  }
0x59: {  	s8 =	sadd.s32 $0x2880, s3  }
0x5a: {  	[spmem:s2] =	stream.indirect.scatter.add.f32 [tilespmem:s17], [sflag:$0xA], $0x40, s8, s14, $0xb8;
	[tilespmem:$0x1E800] =	vst v63  }
0x5b: {  	_ =	swait.ge [sflag:s26], $0x1F40  }
0x5c: {  	[sflag:s26] =	ssyncset.done $0x0  }
0x5d: {  	s20 =	simm.s32 @!p0 $0xF;
	[sflag:s26] =	ssyncadd.s32 $0xFFFFE0C0  }
0x5e: {  	_ =	swait.ge @!p0 [sflag:s20], $0x1F40  }
0x5f: {  	[sflag:s20] =	ssyncset.done @!p0 $0x0  }
0x60: {  	s9 =	sadd.s32 $0x300, s3;
	[sflag:s20] =	ssyncadd.s32 @!p0 $0xFFFFE0C0  }
0x61: {  	[tilespmem:s28], [sflag:$0x7] =	stream.indirect.gather [hbm4b:s4+s14], $0x40, s9, s14, $0xb8;
	[tilespmem:$0x1E800] =	vst v63  }
0x62: {  	s5 =	sadd.s32 $0x2900, s3  }
0x63: {  	[spmem:s2] =	stream.indirect.scatter.add.f32 [tilespmem:s19], [sflag:$0xB], $0x40, s5, s14, $0xb8;
	[tilespmem:$0x1E800] =	vst v63  }
0x64: {  	_ =	swait.ge [sflag:s29], $0x1F40  }
0x65: {  	[sflag:s29] =	ssyncset.done $0x0  }
0x66: {  	s20 =	simm.s32 @!p0 $0x10;
	[sflag:s29] =	ssyncadd.s32 $0xFFFFE0C0  }
0x67: {  	_ =	swait.ge @!p0 [sflag:s20], $0x1F40  }
0x68: {  	[sflag:s20] =	ssyncset.done @!p0 $0x0  }
0x69: {  	s8 =	sadd.s32 $0x380, s3;
	[sflag:s20] =	ssyncadd.s32 @!p0 $0xFFFFE0C0  }
0x6a: {  	[tilespmem:s30], [sflag:$0x8] =	stream.indirect.gather [hbm4b:s4+s14], $0x40, s8, s14, $0xb8;
	[tilespmem:$0x1E800] =	vst v63  }
0x6b: {  	s9 =	sadd.s32 $0x2980, s3  }
0x6c: {  	[spmem:s2] =	stream.indirect.scatter.add.f32 [tilespmem:s21], [sflag:$0xC], $0x40, s9, s14, $0xb8;
	[tilespmem:$0x1E800] =	vst v63  }
0x6d: {  	_ =	swait.ge [sflag:s31], $0x1F40  }
0x6e: {  	[sflag:s31] =	ssyncset.done $0x0  }
0x6f: {  	[sflag:s31] =	ssyncadd.s32 $0xFFFFE0C0  }
0x70: {  	p0 =	seq.s32 s7, $0x9000;
	_ =	swait.ge [sflag:s0], $0x1F40  }
0x71: {  	s20 =	sshra.s32 @p0 s7, $0x2;
	s5 =	simm.s32 @p0 $0x7D;
	[sflag:s0] =	ssyncset.done $0x0  }
0x72: {  	s8 =	simm.s32 @p0 $0xCD00;
	s20 =	sadd.s32 @p0 $0x2A00, s20;
	[sflag:s0] =	ssyncadd.s32 $0xFFFFE0C0  }
0x73: {  	[spmem:s2] =	stream.indirect.scatter.add.f32 @p0 [tilespmem:s8], [sflag:$0xD], $0x40, s20, s5, $0xb8;
	[tilespmem:$0x1E800] =	vst v63  }
0x74: {  	s5 =	simm.s32 @p0 $0x6  }
0x75: {  	_ =	swait.ge @p0 [sflag:s5], $0x1F40  }
0x76: {  	[sflag:s5] =	ssyncset.done @p0 $0x0  }
0x77: {  	[sflag:s5] =	ssyncadd.s32 @p0 $0xFFFFE0C0;
	s5 =	simm.s32 @p0 $0xA  }
0x78: {  	_ =	swait.ge @p0 [sflag:s5], $0x1F40  }
0x79: {  	[sflag:s5] =	ssyncset.done @p0 $0x0  }
0x7a: {  	[sflag:s5] =	ssyncadd.s32 @p0 $0xFFFFE0C0;
	s5 =	sshra.s32 @!p0 s7, $0x2  }
0x7b: {  	s9 =	simm.s32 @!p0 $0x5000;
	s20 =	simm.s32 @!p0 $0x7D;
	s8 =	sadd.s32 @!p0 $0x400, s5  }
0x7c: {  	[tilespmem:s9], [sflag:$0x1] =	stream.indirect.gather @!p0 [hbm4b:s4+s20], $0x40, s8, s20, $0xb8;
	[tilespmem:$0x1E800] =	vst v63  }
0x7d: {  	s8 =	sadd.s32 @!p0 $0x2A00, s5;
	s9 =	simm.s32 @!p0 $0xCD00  }
0x7e: {  	[spmem:s2] =	stream.indirect.scatter.add.f32 @!p0 [tilespmem:s9], [sflag:$0xD], $0x40, s8, s20, $0xb8;
	[tilespmem:$0x1E800] =	vst v63  }
0x7f: {  	s8 =	simm.s32 @!p0 $0x6  }
0x80: {  	_ =	swait.ge @!p0 [sflag:s8], $0x1F40  }
0x81: {  	[sflag:s8] =	ssyncset.done @!p0 $0x0  }
0x82: {  	[sflag:s8] =	ssyncadd.s32 @!p0 $0xFFFFE0C0;
	s8 =	simm.s32 @!p0 $0xA  }
0x83: {  	_ =	swait.ge @!p0 [sflag:s8], $0x1F40  }
0x84: {  	[sflag:s8] =	ssyncset.done @!p0 $0x0  }
0x85: {  	s5 =	sadd.s32 @!p0 $0x480, s5;
	[sflag:s8] =	ssyncadd.s32 @!p0 $0xFFFFE0C0;
	s8 =	simm.s32 @!p0 $0x6F40  }
0x86: {  	[tilespmem:s8], [sflag:$0x2] =	stream.indirect.gather @!p0 [hbm4b:s4+s20], $0x40, s5, s20, $0xb8;
	[tilespmem:$0x1E800] =	vst v63  }
0x87: {  	s20 =	sadd.s32 $0x2A80, s3  }
0x88: {  	[spmem:s2] =	stream.indirect.scatter.add.f32 [tilespmem:s25], [sflag:$0xE], $0x40, s20, s14, $0xb8;
	[tilespmem:$0x1E800] =	vst v63  }
0x89: {  	_ =	swait.ge [sflag:s1], $0x1F40  }
.Ltmp2:
0x8a: {  	[sflag:s1] =	ssyncset.done $0x0;
	(pc) =	sbr.rel @p0 .LBB2_4-.Ltmp2, $4  }
0x8b: {  	[sflag:s1] =	ssyncadd.s32 $0xFFFFE0C0  }
0x8c: {  	_ =	swait.ge [sflag:s13], $0x1F40  }
0x8d: {  	[sflag:s13] =	ssyncset.done $0x0  }
0x8e: {  	s20 =	sadd.s32 $0x2B00, s3;
	[sflag:s13] =	ssyncadd.s32 $0xFFFFE0C0  }
0x8f: {  	s5 =	sadd.s32 $0x500, s3  }
0x90: {  	[tilespmem:s19], [sflag:$0x3] =	stream.indirect.gather [hbm4b:s4+s14], $0x40, s5, s14, $0xb8;
	[tilespmem:$0x1E800] =	vst v63  }
0x91: {  	_ = 	snop  }
0x92: {  	[spmem:s2] =	stream.indirect.scatter.add.f32 [tilespmem:s28], [sflag:$0xF], $0x40, s20, s14, $0xb8;
	[tilespmem:$0x1E800] =	vst v63  }
0x93: {  	_ =	swait.ge [sflag:s16], $0x1F40  }
0x94: {  	[sflag:s16] =	ssyncset.done $0x0  }
0x95: {  	[sflag:s16] =	ssyncadd.s32 $0xFFFFE0C0  }
0x96: {  	_ =	swait.ge [sflag:s18], $0x1F40  }
.Ltmp3:
0x97: {  	[sflag:s18] =	ssyncset.done $0x0;
	(pc) =	sbr.rel .LBB2_2-.Ltmp3, $4  }
0x98: {  	s9 =	sadd.s32 $0x580, s3;
	[sflag:s18] =	ssyncadd.s32 $0xFFFFE0C0  }
0x99: {  	[tilespmem:s21], [sflag:$0x4] =	stream.indirect.gather [hbm4b:s4+s14], $0x40, s9, s14, $0xb8;
	[tilespmem:$0x1E800] =	vst v63  }
0x9a: {  	s7 =	sadd.s32 $0x1000, s7;
	s20 =	sadd.s32 $0x2B80, s3  }
0x9b: {  	[spmem:s2] =	stream.indirect.scatter.add.f32 [tilespmem:s30], [sflag:$0x10], $0x40, s20, s14, $0xb8;
	[tilespmem:$0x1E800] =	vst v63  }
.LBB2_5:
0x9c: {  	_ =	sfence.sel $0x180000  }
0x9d: {  	[bflag:$0x0] =	sbarrier.arrive $0xFFFF  }
0x9e: {  	_ =	strace $0x9000004A  }
0x9f: {  	s0 =	stileid.u32;
	[bflag:$0x2] =	sbarrier.arrive $0xFFFF  }
0xa0: {  	p0 =	sne.s32 s0, $0x0;
	s0 =	rddreg [dreg:$0x3]  }
0xa1: {  	s0 =	sadd.s32 @!p0 $0x100000, s0  }
0xa2: {  	[sflag:s0] =	ssyncadd.tile.s32 @!p0 $0x1;
	_ =	shalt  }
.Lfunc_end2:
_tile_overlayer_lowered:
.L_overlay_start_2:
0xa3: {  	(tag) =	ssettag $0x2  }
0xa4: {  	s0 =	rddreg [dreg:$0x0];
	s2 =	stileid.u32  }
0xa5: {  	s1 =	rddreg [dreg:$0x1];
	p0 =	sne.s32 s2, $0x0  }
0xa6: {  	s3 =	rddreg [dreg:$0x2];
	[bflag:$0x3] =	sbarrier.arrive $0xFFFF;
	s2 =	simm.s32 @!p0 $0x1C11  }
0xa7: {  	[timem:s3], [sflag:s2] =	dma.local @!p0 [hbm:s0], s1  }
0xa8: {  	s0 =	simm.s32 @!p0 $0x11  }
0xa9: {  	_ =	swait.ge @!p0 [sflag:s0], s1  }
0xaa: {  	s1 =	ssub.s32 @!p0 $0x0, s1;
	[sflag:s0] =	ssyncset.done @!p0 $0x0  }
0xab: {  	[sflag:s0] =	ssyncadd.s32 @!p0 s1  }
0xac: {  	[bflag:$0x3] =	sbarrier.arrive $0xFFFF  }
0xad: {  	_ =	shalt  }

// kernel: kernel.14.cloned.1.call-start
scs
__scs_entry_jumppad:
0x0: {  	(pc) =	sbr.rel $0x88, $3  }
0x1: {  	(tag) =	ssettag $0x0;
	lr =	simm.s32 $0x1  }
0x2: {  	[smem:$0x3F97] =	sst lr;
	_ =	strace $0xD0000000  }
0x3: {  	_ = 	snop  }
0x4: {  	_ = 	snop  }
0x5: {  	_ = 	snop  }
0x6: {  	_ = 	snop  }
0x7: {  	_ = 	snop  }
__scs_overlays_trampoline_lowered:
0x8: {  	[smem:$0x3FA6] =	sst s0  }
0x9: {  	[smem:$0x3FA7] =	sst s1  }
0xa: {  	[smem:$0x3FA8] =	sst s2  }
0xb: {  	[smem:$0x3FA9] =	sst s3  }
0xc: {  	[smem:$0x3FAA] =	sst s4  }
0xd: {  	[smem:$0x3FAB] =	sst s5  }
0xe: {  	[smem:$0x3FAC] =	sst s6  }
0xf: {  	[smem:$0x3FAD] =	sst s7  }
0x10: {  	[smem:$0x3FAE] =	sst s8  }
0x11: {  	[smem:$0x3FAF] =	sst s9;
	s0 =	simm.s32 @!p0 $0x0  }
0x12: {  	s1 =	sld [smem:$0x3F95];
	s0 =	simm.s32 @p0 $0x1  }
0x13: {  	[smem:$0x3FB0] =	sst s0;
	s0 =	simm.s32 @!p1 $0x0  }
0x14: {  	s2 =	sld [smem:$0x3F94];
	s0 =	simm.s32 @p1 $0x1  }
0x15: {  	[smem:$0x3FB1] =	sst s0;
	s0 =	simm.s32 @!p2 $0x0  }
0x16: {  	s3 =	sld [smem:$0x3FDB];
	s0 =	simm.s32 @p2 $0x1  }
0x17: {  	s4 =	simm.s32 $0x1BF5;
	[smem:$0x3FB3] =	sst s0  }
0x18: {  	s0 =	sld [smem:$0x3F96];
	_ =	swait.ge [sflag:s4], $0x0  }
0x19: {  	s7 =	sld [smem:$0x3F97]  }
0x1a: {  	s8 =	sadd.s32 $0xFFFFE003, lr  }
0x1b: {  	s9 =	sadd.s32 $0xFFFFFEF7, lr;
	s5 =	simm.s32 $0xFFFFFFFF;
	p2 =	slt.u32 s8, $0xFFFFF086  }
0x1c: {  	p1 =	slt.u32 s9, $0xF7A;
	s5 =	simm.s32 @!p2 $0x0  }
0x1d: {  	s5 =	simm.s32 @p1 $0x1;
	p0 =	seq.s32 s7, s2  }
0x1e: {  	s7 =	smul.u32 @!p0 $0xF7A, s2;
	p2 =	seq.s32 @!p0 s5, $0x0  }
0x1f: {  	s9 =	smul.u32 $0xF7A, s1;
	s8 =	simm.s32 @!p0 $0x1BF5;
	p2 =	por !p2, p0  }
0x20: {  	[sflag:s8] =	ssyncset.s32 @!p0 $0xFFFFF086;
	s6 =	sadd.s32 @!p0 s3, s7;
	s7 =	simm.s32 @!p0 $0x108  }
0x21: {  	s3 =	sadd.s32 s3, s9;
	s6 =	sadd.s32 @!p0 $0x88, s6;
	s7 =	simm.s32 @p2 $0x1082  }
0x22: {  	[simem:s7], [sflag:s8] =	dma.local @!p0 [hbm:s6], $0xF7A  }
0x23: {  	s9 =	sor.u32 $0xD0000000, s2;
	s6 =	simm.s32 $0x108;
	_ =	swait.ge @!p0 [sflag:s8], $0x0  }
0x24: {  	s3 =	sadd.s32 $0x88, s3;
	s6 =	simm.s32 @!p1 $0x1082;
	[sflag:s4] =	ssyncset.s32 $0xFFFFF086  }
0x25: {  	[simem:s6], [sflag:s4] =	dma.local [hbm:s3], $0xF7A  }
0x26: {  	[smem:$0x3F97] =	sst s1;
	(tag) =	ssettag s2;
	_ =	strace s9  }
0x27: {  	s1 =	sld [smem:$0x3FA7]  }
0x28: {  	s2 =	sld [smem:$0x3FA8]  }
0x29: {  	s4 =	sld [smem:$0x3FAA]  }
0x2a: {  	p0 =	seq.s32 s5, $0x0;
	s5 =	sld [smem:$0x3FAB]  }
0x2b: {  	s6 =	sld [smem:$0x3FAC]  }
0x2c: {  	s7 =	sld [smem:$0x3FAD]  }
0x2d: {  	s3 =	simm.s32 $0x108;
	s8 =	sld [smem:$0x3FAE]  }
0x2e: {  	s3 =	simm.s32 @!p0 $0x1082;
	s9 =	sld [smem:$0x3FAF]  }
0x2f: {  	lr =	sadd.s32 s0, s3;
	s0 =	sld [smem:$0x3FA6]  }
0x30: {  	s3 =	sld [smem:$0x3FA9]  }
0x31: {  	[smem:$0x3FB2] =	sst s10  }
0x32: {  	s10 =	sld [smem:$0x3FB0];
	_ =	sdelay $0x3  }
0x33: {  	p0 =	seq.s32 s10, $0x1;
	s10 =	sld [smem:$0x3FB2];
	_ =	sdelay $0x3  }
0x34: {  	[smem:$0x3FB2] =	sst s10  }
0x35: {  	s10 =	sld [smem:$0x3FB1];
	_ =	sdelay $0x3  }
0x36: {  	p1 =	seq.s32 s10, $0x1;
	s10 =	sld [smem:$0x3FB2];
	_ =	sdelay $0x3  }
0x37: {  	[smem:$0x3FB2] =	sst s10  }
0x38: {  	s10 =	sld [smem:$0x3FB3]  }
0x39: {  	_ = 	snop;
	(pc) =	sbr.ind lr, $3  }
0x3a: {  	_ = 	snop  }
0x3b: {  	_ = 	snop  }
0x3c: {  	p2 =	seq.s32 s10, $0x1;
	s10 =	sld [smem:$0x3FB2]  }
0x3d: {  	_ =	shalt  }
0x3e: {  	_ =	shalt  }
0x3f: {  	_ =	shalt  }
0x40: {  	_ =	shalt  }
0x41: {  	_ =	shalt  }
0x42: {  	_ =	shalt  }
0x43: {  	_ =	shalt  }
0x44: {  	_ =	shalt  }
0x45: {  	_ =	shalt  }
0x46: {  	_ =	shalt  }
0x47: {  	_ =	shalt  }
0x48: {  	_ =	shalt  }
0x49: {  	_ =	shalt  }
0x4a: {  	_ =	shalt  }
0x4b: {  	_ =	shalt  }
0x4c: {  	_ =	shalt  }
0x4d: {  	_ =	shalt  }
0x4e: {  	_ =	shalt  }
0x4f: {  	_ =	shalt  }
0x50: {  	_ =	shalt  }
0x51: {  	_ =	shalt  }
0x52: {  	_ =	shalt  }
0x53: {  	_ =	shalt  }
0x54: {  	_ =	shalt  }
0x55: {  	_ =	shalt  }
0x56: {  	_ =	shalt  }
0x57: {  	_ =	shalt  }
0x58: {  	_ =	shalt  }
0x59: {  	_ =	shalt  }
0x5a: {  	_ =	shalt  }
0x5b: {  	_ =	shalt  }
0x5c: {  	_ =	shalt  }
0x5d: {  	_ =	shalt  }
0x5e: {  	_ =	shalt  }
0x5f: {  	_ =	shalt  }
0x60: {  	_ =	shalt  }
0x61: {  	_ =	shalt  }
0x62: {  	_ =	shalt  }
0x63: {  	_ =	shalt  }
0x64: {  	_ =	shalt  }
0x65: {  	_ =	shalt  }
0x66: {  	_ =	shalt  }
0x67: {  	_ =	shalt  }
0x68: {  	_ =	shalt  }
0x69: {  	_ =	shalt  }
0x6a: {  	_ =	shalt  }
0x6b: {  	_ =	shalt  }
0x6c: {  	_ =	shalt  }
0x6d: {  	_ =	shalt  }
0x6e: {  	_ =	shalt  }
0x6f: {  	_ =	shalt  }
0x70: {  	_ =	shalt  }
0x71: {  	_ =	shalt  }
0x72: {  	_ =	shalt  }
0x73: {  	_ =	shalt  }
0x74: {  	_ =	shalt  }
0x75: {  	_ =	shalt  }
0x76: {  	_ =	shalt  }
0x77: {  	_ =	shalt  }
0x78: {  	_ =	shalt  }
0x79: {  	_ =	shalt  }
0x7a: {  	_ =	shalt  }
0x7b: {  	_ =	shalt  }
0x7c: {  	_ =	shalt  }
0x7d: {  	_ =	shalt  }
0x7e: {  	_ =	shalt  }
0x7f: {  	_ =	shalt  }
0x80: {  	_ =	shalt  }
0x81: {  	_ =	shalt  }
0x82: {  	_ =	shalt  }
0x83: {  	_ =	shalt  }
0x84: {  	_ =	shalt  }
0x85: {  	_ =	shalt  }
0x86: {  	_ =	shalt  }
0x87: {  	_ =	shalt  }
.Lfunc_end0:
.L_simem_size_0:
called_computation.2_lowered:
.L_overlay_start_0:
0x88: {  	s2 =	sld [smem:$0x3FD9]  }
0x89: {  	s3 =	sld [smem:$0x3FFE];
	_ =	sdelay $0x1  }
0x8a: {  	s1 =	srdreg.scid  }
0x8b: {  	s0 =	sand.u32 $0x1, s1  }
0x8c: {  	s17 =	sshll.u32 s0, $0xA;
	s2 =	sadd.s32 s3, s2  }
0x8d: {  	s2 =	sadd.s32 s2, s17  }
0x8e: {  	[smem:$0x3FBE] =	sst s2  }
0x8f: {  	_ = 	snop  }
0x90: {  	s2 =	sld [smem:$0x3FD0];
	(tm) =	ssettm $0x1  }
0x91: {  	s18 =	sld [smem:$0x3FFB];
	_ =	sdelay $0x3  }
0x92: {  	_ =	strace s18  }
0x93: {  	s3 =	sld [smem:$0x3FFC];
	_ =	sdelay $0x3  }
0x94: {  	_ =	strace s3  }
0x95: {  	s3 =	sld [smem:$0x3FFD];
	_ =	sdelay $0x3  }
0x96: {  	_ =	strace s3  }
0x97: {  	_ =	strace $0x8FFFFFFF  }
0x98: {  	s19 =	sld [smem:$0x3FDB];
	_ =	sdelay $0x1  }
0x99: {  	s4 =	simm.s32 $_scs_section_size  }
0x9a: {  	s5 =	simm.s32 $_size__tile_overlayer_lowered;
	s6 =	simm.s32 $_tile_overlayer_lowered  }
0x9b: {  	s22 =	simm.s32 $0x1BFF;
	s21 =	sshll.u32 s6, $0x1;
	s3 =	sadd.s32 s4, s19  }
0x9c: {  	s7 =	simm.s32 $0x0;
	s20 =	sshll.u32 s5, $0x1;
	s5 =	sadd.s32 s21, s3  }
0x9d: {  	[timem:s7], [sflag:s22] =	dma.local [hbm:s5], s20  }
0x9e: {  	_ =	swait.ge [sflag:s22], s20  }
0x9f: {  	s4 =	ssub.s32 $0x0, s20;
	[sflag:s22] =	ssyncset.done $0x0  }
0xa0: {  	[sflag:s22] =	ssyncadd.s32 s4;
	_ =	sdelay $0x1  }
0xa1: {  	s23 =	simm.s32 $0x1B8B  }
0xa2: {  	_ =	swait.ge [sflag:s23], $0x1  }
0xa3: {  	[sflag:s23] =	ssyncset.done $0x0  }
0xa4: {  	s25 =	simm.s32 $0x1B8E;
	s24 =	sld [smem:$0x3FFE];
	[sflag:s23] =	ssyncadd.s32 $0xFFFFFFFF  }
0xa5: {  	s26 =	simm.s32 $execute0_lowered;
	[smem:$0x3FD2] =	sst s25  }
0xa6: {  	s5 =	sshll.u32 s26, $0x1;
	_ =	strace $0x8000004C;
	[dreg:$0x1] =	wrdreg $0xFFFFFFFF  }
0xa7: {  	s28 =	simm.s32 $_size_execute0_lowered;
	s3 =	sadd.s32 s3, s5;
	[dreg:$0x0] =	wrdreg $0x0  }
0xa8: {  	s5 =	sshll.u32 s28, $0x1;
	[dreg:$0x2] =	wrdreg s3  }
0xa9: {  	[dreg:$0x3] =	wrdreg s5  }
0xaa: {  	[dreg:$0x4] =	wrdreg $0xC0  }
0xab: {  	_ =	task [dreg:s7], $0x5FFFF  }
0xac: {  	[dreg:$0x1] =	wrdreg $0xFFFFFFFF  }
0xad: {  	[dreg:$0x0] =	wrdreg $0x60  }
0xae: {  	[dreg:$0x2] =	wrdreg s2  }
0xaf: {  	[dreg:$0x3] =	wrdreg s24  }
0xb0: {  	[dreg:$0x4] =	wrdreg $0xCD000  }
0xb1: {  	[dreg:$0x5] =	wrdreg $0x9  }
0xb2: {  	_ =	task.clear_ibuf [dreg:s7], $0x6FFFF;
	_ =	strace $0x9000004C  }
0xb3: {  	s29 =	simm.s32 $0x9;
	_ =	strace $0x8000004E  }
0xb4: {  	_ =	swait.ge [sflag:s29], $0x1  }
0xb5: {  	[sflag:s29] =	ssyncadd.s32 $0xFFFFFFFF  }
0xb6: {  	_ =	strace $0x9000004E  }
0xb7: {  	_ =	sfence  }
0xb8: {  	s30 =	sld [smem:$0x0];
	_ =	sdelay $0x2  }
0xb9: {  	s31 =	sshll.u32 s1, $0xD;
	s1 =	sshrl.u32 s1, $0x2  }
0xba: {  	s3 =	sand.u32 $0x4000, s31;
	s1 =	sadd.s32 s1, s30  }
0xbb: {  	s0 =	sor.u32 s3, s0;
	s1 =	sshll.u32 s1, $0x11  }
0xbc: {  	s0 =	sor.u32 s1, s0  }
0xbd: {  	s0 =	sadd.s32 $0x8F2B, s0  }
0xbe: {  	[sflag:s0] =	ssyncadd.remote.s32 $0x1  }
0xbf: {  	_ =	sfence.sel $0xFFFF  }
0xc0: {  	[dreg:$0x0] =	wrdreg $0xFFFFFFFF;
	(pc) =	sbr.abs _section_cstart, $3  }
0xc1: {  	[dreg:$0x1] =	wrdreg $0xFFFFFFFF  }
0xc2: {  	_ =	task.clear_ibuf [dreg:s7], $0x2FFFF;
	_ =	strace $0x9FFFFFFF  }
0xc3: {  	(tm) =	ssettm $0x7FFFFFFF  }
tec
execute0_lowered:
.L_overlay_start_1:
0x0: {  	(tag) =	ssettag $0x1  }
0x1: {  	s0 =	rddreg [dreg:$0x0]  }
0x2: {  	s1 =	rddreg [dreg:$0x1]  }
0x3: {  	s2 =	rddreg [dreg:$0x2];
	s3 =	srdreg.scid  }
0x4: {  	s8 =	stileid.u32;
	s4 =	simm.s32 $0x0;
	s12 =	simm.s32 $0x11  }
0x5: {  	s14 =	simm.s32 $0x7D;
	s15 =	simm.s32 $0x5000;
	s17 =	simm.s32 $0x5FA0  }
0x6: {  	s19 =	simm.s32 $0x6F40;
	s21 =	simm.s32 $0x7EE0;
	s22 =	simm.s32 $0x1  }
0x7: {  	s28 =	simm.s32 $0xADC0;
	s29 =	simm.s32 $0x4;
	s30 =	simm.s32 $0xBD60  }
0x8: {  	s31 =	simm.s32 $0x5;
	s13 =	simm.s32 $0xB;
	s16 =	simm.s32 $0x8  }
0x9: {  	s18 =	simm.s32 $0xC;
	s10 =	simm.s32 $0x0;
	s3 =	sand.u32 $0x1, s3  }
0xa: {  	s5 =	smul.u32 $0x4F00, s8;
	[smem:$0x7FF] =	sst s4;
	s7 =	sshll.u32 s8, $0x1  }
0xb: {  	s4 =	sadd.s32 $0x2600, s1;
	s9 =	sadd.s32 $0xC400, s1;
	s24 =	sshll.u32 s8, $0x6  }
0xc: {  	s6 =	smul.u32 $0x4F000, s3;
	s7 =	sor.u32 s3, s7;
	s3 =	ssub.s32 $0x2, s3  }
0xd: {  	_ =	strace $0x8000004D;
	[dreg:$0x4] =	wrdreg s9;
	s23 =	sshrl.u32 s3, $0x1  }
0xe: {  	s7 =	smul.u32 $0x2800, s7;
	s6 =	sadd.s32 s5, s6;
	s3 =	ssub.s32 s3, s23  }
0xf: {  	s5 =	sadd.s32 s5, s2;
	s23 =	simm.s32 $0x8E80;
	s6 =	sshrl.u32 s6, $0x3  }
0x10: {  	s7 =	sshrl.u32 s7, $0x3;
	s26 =	smax.u32 s3, $0x1;
	s11 =	sshrl.u32 s5, $0x3  }
.Ltmp0:
0x11: {  	s1 =	sadd.s32 s6, s1;
	s6 =	sor.u32 $0x1C11, s24;
	(pc) =	sbr.rel .LBB2_1-.Ltmp0, $4  }
0x12: {  	s0 =	sadd.s32 s0, s7;
	[dreg:$0x8] =	wrdreg s26;
	s24 =	simm.s32 $0x2  }
0x13: {  	s26 =	simm.s32 $0x3;
	[dreg:$0x5] =	wrdreg s0;
	s0 =	sadd.s32 $0xA000, s0  }
0x14: {  	s25 =	sadd.s32 $0xCE00, s1;
	s1 =	simm.s32 $0x7;
	[dreg:$0x6] =	wrdreg s0  }
0x15: {  	[dreg:$0x7] =	wrdreg s25;
	s25 =	simm.s32 $0x9E20;
	s0 =	simm.s32 $0x9  }
.LBB2_4:
0x16: {  	[spmem:s2] =	stream.indirect.scatter.add.f32 [tilespmem:s28], [sflag:$0xF], $0x20, s20, s14, $0xb8;
	[tilespmem:$0x11C00] =	vst v63  }
0x17: {  	_ =	swait.ge [sflag:s16], $0xFA0  }
0x18: {  	[sflag:s16] =	ssyncset.done $0x0  }
0x19: {  	[sflag:s16] =	ssyncadd.s32 $0xFFFFF060  }
0x1a: {  	_ =	swait.ge [sflag:s18], $0xFA0  }
0x1b: {  	[sflag:s18] =	ssyncset.done $0x0  }
0x1c: {  	s3 =	sadd.s32 $0x2B80, s3;
	s20 =	simm.s32 $0xD;
	[sflag:s18] =	ssyncadd.s32 $0xFFFFF060  }
0x1d: {  	[spmem:s2] =	stream.indirect.scatter.add.f32 [tilespmem:s30], [sflag:$0x10], $0x20, s3, s14, $0xb8;
	[tilespmem:$0x11C00] =	vst v63  }
0x1e: {  	_ =	swait.ge [sflag:s20], $0xFA0  }
0x1f: {  	[sflag:s20] =	ssyncset.done $0x0  }
0x20: {  	s5 =	simm.s32 $0xE;
	[sflag:s20] =	ssyncadd.s32 $0xFFFFF060  }
0x21: {  	_ =	swait.ge [sflag:s5], $0xFA0  }
0x22: {  	[sflag:s5] =	ssyncset.done $0x0  }
0x23: {  	s7 =	simm.s32 $0xF;
	[sflag:s5] =	ssyncadd.s32 $0xFFFFF060  }
0x24: {  	_ =	swait.ge [sflag:s7], $0xFA0  }
0x25: {  	[sflag:s7] =	ssyncset.done $0x0  }
0x26: {  	s8 =	simm.s32 $0x10;
	[sflag:s7] =	ssyncadd.s32 $0xFFFFF060  }
0x27: {  	_ =	swait.ge [sflag:s8], $0xFA0  }
0x28: {  	[sflag:s8] =	ssyncset.done $0x0  }
0x29: {  	[sflag:s8] =	ssyncadd.s32 $0xFFFFF060  }
0x2a: {  	[bflag:$0x0] =	sbarrier.arrive $0xFFFF  }
0x2b: {  	s9 =	rddreg [dreg:$0x7]  }
0x2c: {  	[hbm:s9], [sflag:s6] =	dma.local [spmem:s11], $0x9E0  }
0x2d: {  	_ =	swait.ge [sflag:s12], $0x9E0  }
0x2e: {  	s10 =	sadd.s32 $0x1, s10;
	s20 =	rddreg [dreg:$0x8]  }
0x2f: {  	p0 =	sne.s32 s10, s20  }
.Ltmp1:
0x30: {  	_ = 	snop;
	(pc) =	sbr.rel @!p0 .LBB2_5-.Ltmp1, $3  }
0x31: {  	_ =	sdelay $0x1  }
0x32: {  	[sflag:s12] =	ssyncset.done $0x0  }
0x33: {  	[sflag:s12] =	ssyncadd.s32 $0xFFFFF620  }
.LBB2_1:
0x34: {  	s3 =	rddreg [dreg:$0x4]  }
0x35: {  	[spmem:s11], [sflag:s6] =	dma.local [hbm:s3], $0x9E0  }
0x36: {  	_ =	swait.ge [sflag:s12], $0x9E0  }
0x37: {  	[sflag:s12] =	ssyncset.done $0x0  }
0x38: {  	s9 =	simm.s32 $0x0;
	s5 =	rddreg [dreg:$0x5];
	[sflag:s12] =	ssyncadd.s32 $0xFFFFF620  }
0x39: {  	[tilespmem:s9], [sflag:$0x11] =	stream.linear.gather [hbm4b:s5+s9], $0x2800, $0x38;
	[tilespmem:$0x11C00] =	vst v63  }
0x3a: {  	_ =	swait.ge [sflag:s12], $0x2800  }
0x3b: {  	[sflag:s12] =	ssyncset.done $0x0  }
0x3c: {  	s7 =	simm.s32 $0x2800;
	s20 =	rddreg [dreg:$0x6];
	[sflag:s12] =	ssyncadd.s32 $0xFFFFD800  }
0x3d: {  	[tilespmem:s7], [sflag:$0x11] =	stream.linear.gather [hbm4b:s20+s9], $0x2800, $0x38;
	[tilespmem:$0x11C00] =	vst v63  }
0x3e: {  	_ =	swait.ge [sflag:s12], $0x2800  }
0x3f: {  	[sflag:s12] =	ssyncset.done $0x0  }
0x40: {  	[sflag:s12] =	ssyncadd.s32 $0xFFFFD800  }
0x41: {  	[bflag:$0x0] =	sbarrier.arrive $0xFFFF  }
0x42: {  	[tilespmem:s15], [sflag:$0x1] =	stream.indirect.gather [hbm4b:s4+s14], $0x20, s9, s14, $0xb8;
	[tilespmem:$0x11C00] =	vst v63  }
0x43: {  	s8 =	simm.s32 $0x80  }
0x44: {  	[tilespmem:s17], [sflag:$0x2] =	stream.indirect.gather [hbm4b:s4+s14], $0x20, s8, s14, $0xb8;
	[tilespmem:$0x11C00] =	vst v63  }
0x45: {  	s9 =	simm.s32 $0x100  }
0x46: {  	[tilespmem:s19], [sflag:$0x3] =	stream.indirect.gather [hbm4b:s4+s14], $0x20, s9, s14, $0xb8;
	[tilespmem:$0x11C00] =	vst v63  }
0x47: {  	s20 =	simm.s32 $0x180;
	s7 =	simm.s32 $0x0  }
0x48: {  	[tilespmem:s21], [sflag:$0x4] =	stream.indirect.gather [hbm4b:s4+s14], $0x20, s20, s14, $0xb8;
	[tilespmem:$0x11C00] =	vst v63  }
.LBB2_2:
0x49: {  	_ =	swait.ge [sflag:s22], $0xFA0  }
0x4a: {  	p0 =	seq.s32 s7, $0x0;
	[sflag:s22] =	ssyncset.done $0x0  }
0x4b: {  	s20 =	simm.s32 @!p0 $0xD;
	[sflag:s22] =	ssyncadd.s32 $0xFFFFF060  }
0x4c: {  	_ =	swait.ge @!p0 [sflag:s20], $0xFA0  }
0x4d: {  	s3 =	sshra.s32 s7, $0x2;
	[sflag:s20] =	ssyncset.done @!p0 $0x0  }
0x4e: {  	s8 =	sadd.s32 $0x200, s3;
	[sflag:s20] =	ssyncadd.s32 @!p0 $0xFFFFF060  }
0x4f: {  	[tilespmem:s23], [sflag:$0x5] =	stream.indirect.gather [hbm4b:s4+s14], $0x20, s8, s14, $0xb8;
	[tilespmem:$0x11C00] =	vst v63  }
0x50: {  	s9 =	sadd.s32 $0x2800, s3  }
0x51: {  	[spmem:s2] =	stream.indirect.scatter.add.f32 [tilespmem:s15], [sflag:$0x9], $0x20, s9, s14, $0xb8;
	[tilespmem:$0x11C00] =	vst v63  }
0x52: {  	_ =	swait.ge [sflag:s24], $0xFA0  }
0x53: {  	[sflag:s24] =	ssyncset.done $0x0  }
0x54: {  	s20 =	simm.s32 @!p0 $0xE;
	[sflag:s24] =	ssyncadd.s32 $0xFFFFF060  }
0x55: {  	_ =	swait.ge @!p0 [sflag:s20], $0xFA0  }
0x56: {  	[sflag:s20] =	ssyncset.done @!p0 $0x0  }
0x57: {  	s5 =	sadd.s32 $0x280, s3;
	[sflag:s20] =	ssyncadd.s32 @!p0 $0xFFFFF060  }
0x58: {  	[tilespmem:s25], [sflag:$0x6] =	stream.indirect.gather [hbm4b:s4+s14], $0x20, s5, s14, $0xb8;
	[tilespmem:$0x11C00] =	vst v63  }
0x59: {  	s8 =	sadd.s32 $0x2880, s3  }
0x5a: {  	[spmem:s2] =	stream.indirect.scatter.add.f32 [tilespmem:s17], [sflag:$0xA], $0x20, s8, s14, $0xb8;
	[tilespmem:$0x11C00] =	vst v63  }
0x5b: {  	_ =	swait.ge [sflag:s26], $0xFA0  }
0x5c: {  	[sflag:s26] =	ssyncset.done $0x0  }
0x5d: {  	s20 =	simm.s32 @!p0 $0xF;
	[sflag:s26] =	ssyncadd.s32 $0xFFFFF060  }
0x5e: {  	_ =	swait.ge @!p0 [sflag:s20], $0xFA0  }
0x5f: {  	[sflag:s20] =	ssyncset.done @!p0 $0x0  }
0x60: {  	s9 =	sadd.s32 $0x300, s3;
	[sflag:s20] =	ssyncadd.s32 @!p0 $0xFFFFF060  }
0x61: {  	[tilespmem:s28], [sflag:$0x7] =	stream.indirect.gather [hbm4b:s4+s14], $0x20, s9, s14, $0xb8;
	[tilespmem:$0x11C00] =	vst v63  }
0x62: {  	s5 =	sadd.s32 $0x2900, s3  }
0x63: {  	[spmem:s2] =	stream.indirect.scatter.add.f32 [tilespmem:s19], [sflag:$0xB], $0x20, s5, s14, $0xb8;
	[tilespmem:$0x11C00] =	vst v63  }
0x64: {  	_ =	swait.ge [sflag:s29], $0xFA0  }
0x65: {  	[sflag:s29] =	ssyncset.done $0x0  }
0x66: {  	s20 =	simm.s32 @!p0 $0x10;
	[sflag:s29] =	ssyncadd.s32 $0xFFFFF060  }
0x67: {  	_ =	swait.ge @!p0 [sflag:s20], $0xFA0  }
0x68: {  	[sflag:s20] =	ssyncset.done @!p0 $0x0  }
0x69: {  	s8 =	sadd.s32 $0x380, s3;
	[sflag:s20] =	ssyncadd.s32 @!p0 $0xFFFFF060  }
0x6a: {  	[tilespmem:s30], [sflag:$0x8] =	stream.indirect.gather [hbm4b:s4+s14], $0x20, s8, s14, $0xb8;
	[tilespmem:$0x11C00] =	vst v63  }
0x6b: {  	s9 =	sadd.s32 $0x2980, s3  }
0x6c: {  	[spmem:s2] =	stream.indirect.scatter.add.f32 [tilespmem:s21], [sflag:$0xC], $0x20, s9, s14, $0xb8;
	[tilespmem:$0x11C00] =	vst v63  }
0x6d: {  	_ =	swait.ge [sflag:s31], $0xFA0  }
0x6e: {  	[sflag:s31] =	ssyncset.done $0x0  }
0x6f: {  	[sflag:s31] =	ssyncadd.s32 $0xFFFFF060  }
0x70: {  	p0 =	seq.s32 s7, $0x9000;
	_ =	swait.ge [sflag:s0], $0xFA0  }
0x71: {  	s20 =	sshra.s32 @p0 s7, $0x2;
	s5 =	simm.s32 @p0 $0x7D;
	[sflag:s0] =	ssyncset.done $0x0  }
0x72: {  	s8 =	simm.s32 @p0 $0x8E80;
	s20 =	sadd.s32 @p0 $0x2A00, s20;
	[sflag:s0] =	ssyncadd.s32 $0xFFFFF060  }
0x73: {  	[spmem:s2] =	stream.indirect.scatter.add.f32 @p0 [tilespmem:s8], [sflag:$0xD], $0x20, s20, s5, $0xb8;
	[tilespmem:$0x11C00] =	vst v63  }
0x74: {  	s5 =	simm.s32 @p0 $0x6  }
0x75: {  	_ =	swait.ge @p0 [sflag:s5], $0xFA0  }
0x76: {  	[sflag:s5] =	ssyncset.done @p0 $0x0  }
0x77: {  	[sflag:s5] =	ssyncadd.s32 @p0 $0xFFFFF060;
	s5 =	simm.s32 @p0 $0xA  }
0x78: {  	_ =	swait.ge @p0 [sflag:s5], $0xFA0  }
0x79: {  	[sflag:s5] =	ssyncset.done @p0 $0x0  }
0x7a: {  	[sflag:s5] =	ssyncadd.s32 @p0 $0xFFFFF060;
	s5 =	sshra.s32 @!p0 s7, $0x2  }
0x7b: {  	s9 =	simm.s32 @!p0 $0x5000;
	s20 =	simm.s32 @!p0 $0x7D;
	s8 =	sadd.s32 @!p0 $0x400, s5  }
0x7c: {  	[tilespmem:s9], [sflag:$0x1] =	stream.indirect.gather @!p0 [hbm4b:s4+s20], $0x20, s8, s20, $0xb8;
	[tilespmem:$0x11C00] =	vst v63  }
0x7d: {  	s8 =	sadd.s32 @!p0 $0x2A00, s5;
	s9 =	simm.s32 @!p0 $0x8E80  }
0x7e: {  	[spmem:s2] =	stream.indirect.scatter.add.f32 @!p0 [tilespmem:s9], [sflag:$0xD], $0x20, s8, s20, $0xb8;
	[tilespmem:$0x11C00] =	vst v63  }
0x7f: {  	s8 =	simm.s32 @!p0 $0x6  }
0x80: {  	_ =	swait.ge @!p0 [sflag:s8], $0xFA0  }
0x81: {  	[sflag:s8] =	ssyncset.done @!p0 $0x0  }
0x82: {  	[sflag:s8] =	ssyncadd.s32 @!p0 $0xFFFFF060;
	s8 =	simm.s32 @!p0 $0xA  }
0x83: {  	_ =	swait.ge @!p0 [sflag:s8], $0xFA0  }
0x84: {  	[sflag:s8] =	ssyncset.done @!p0 $0x0  }
0x85: {  	s5 =	sadd.s32 @!p0 $0x480, s5;
	[sflag:s8] =	ssyncadd.s32 @!p0 $0xFFFFF060;
	s8 =	simm.s32 @!p0 $0x5FA0  }
0x86: {  	[tilespmem:s8], [sflag:$0x2] =	stream.indirect.gather @!p0 [hbm4b:s4+s20], $0x20, s5, s20, $0xb8;
	[tilespmem:$0x11C00] =	vst v63  }
0x87: {  	s20 =	sadd.s32 $0x2A80, s3  }
0x88: {  	[spmem:s2] =	stream.indirect.scatter.add.f32 [tilespmem:s25], [sflag:$0xE], $0x20, s20, s14, $0xb8;
	[tilespmem:$0x11C00] =	vst v63  }
0x89: {  	_ =	swait.ge [sflag:s1], $0xFA0  }
.Ltmp2:
0x8a: {  	[sflag:s1] =	ssyncset.done $0x0;
	(pc) =	sbr.rel @p0 .LBB2_4-.Ltmp2, $4  }
0x8b: {  	[sflag:s1] =	ssyncadd.s32 $0xFFFFF060  }
0x8c: {  	_ =	swait.ge [sflag:s13], $0xFA0  }
0x8d: {  	[sflag:s13] =	ssyncset.done $0x0  }
0x8e: {  	s20 =	sadd.s32 $0x2B00, s3;
	[sflag:s13] =	ssyncadd.s32 $0xFFFFF060  }
0x8f: {  	s5 =	sadd.s32 $0x500, s3  }
0x90: {  	[tilespmem:s19], [sflag:$0x3] =	stream.indirect.gather [hbm4b:s4+s14], $0x20, s5, s14, $0xb8;
	[tilespmem:$0x11C00] =	vst v63  }
0x91: {  	_ = 	snop  }
0x92: {  	[spmem:s2] =	stream.indirect.scatter.add.f32 [tilespmem:s28], [sflag:$0xF], $0x20, s20, s14, $0xb8;
	[tilespmem:$0x11C00] =	vst v63  }
0x93: {  	_ =	swait.ge [sflag:s16], $0xFA0  }
0x94: {  	[sflag:s16] =	ssyncset.done $0x0  }
0x95: {  	[sflag:s16] =	ssyncadd.s32 $0xFFFFF060  }
0x96: {  	_ =	swait.ge [sflag:s18], $0xFA0  }
.Ltmp3:
0x97: {  	[sflag:s18] =	ssyncset.done $0x0;
	(pc) =	sbr.rel .LBB2_2-.Ltmp3, $4  }
0x98: {  	s9 =	sadd.s32 $0x580, s3;
	[sflag:s18] =	ssyncadd.s32 $0xFFFFF060  }
0x99: {  	[tilespmem:s21], [sflag:$0x4] =	stream.indirect.gather [hbm4b:s4+s14], $0x20, s9, s14, $0xb8;
	[tilespmem:$0x11C00] =	vst v63  }
0x9a: {  	s7 =	sadd.s32 $0x1000, s7;
	s20 =	sadd.s32 $0x2B80, s3  }
0x9b: {  	[spmem:s2] =	stream.indirect.scatter.add.f32 [tilespmem:s30], [sflag:$0x10], $0x20, s20, s14, $0xb8;
	[tilespmem:$0x11C00] =	vst v63  }
.LBB2_5:
0x9c: {  	_ =	sfence.sel $0x180000  }
0x9d: {  	[bflag:$0x0] =	sbarrier.arrive $0xFFFF  }
0x9e: {  	_ =	strace $0x9000004D  }
0x9f: {  	s0 =	stileid.u32;
	[bflag:$0x2] =	sbarrier.arrive $0xFFFF  }
0xa0: {  	p0 =	sne.s32 s0, $0x0;
	s0 =	rddreg [dreg:$0x3]  }
0xa1: {  	s0 =	sadd.s32 @!p0 $0x100000, s0  }
0xa2: {  	[sflag:s0] =	ssyncadd.tile.s32 @!p0 $0x1;
	_ =	shalt  }
.Lfunc_end2:
_tile_overlayer_lowered:
.L_overlay_start_2:
0xa3: {  	(tag) =	ssettag $0x2  }
0xa4: {  	s0 =	rddreg [dreg:$0x0];
	s2 =	stileid.u32  }
0xa5: {  	s1 =	rddreg [dreg:$0x1];
	p0 =	sne.s32 s2, $0x0  }
0xa6: {  	s3 =	rddreg [dreg:$0x2];
	[bflag:$0x3] =	sbarrier.arrive $0xFFFF;
	s2 =	simm.s32 @!p0 $0x1C11  }
0xa7: {  	[timem:s3], [sflag:s2] =	dma.local @!p0 [hbm:s0], s1  }
0xa8: {  	s0 =	simm.s32 @!p0 $0x11  }
0xa9: {  	_ =	swait.ge @!p0 [sflag:s0], s1  }
0xaa: {  	s1 =	ssub.s32 @!p0 $0x0, s1;
	[sflag:s0] =	ssyncset.done @!p0 $0x0  }
0xab: {  	[sflag:s0] =	ssyncadd.s32 @!p0 s1  }
0xac: {  	[bflag:$0x3] =	sbarrier.arrive $0xFFFF  }
0xad: {  	_ =	shalt  }

// kernel: kernel.8.cloned.1.call-start
scs
__scs_entry_jumppad:
0x0: {  	(pc) =	sbr.rel $0x88, $3  }
0x1: {  	(tag) =	ssettag $0x0;
	lr =	simm.s32 $0x1  }
0x2: {  	[smem:$0x3F97] =	sst lr;
	_ =	strace $0xD0000000  }
0x3: {  	_ = 	snop  }
0x4: {  	_ = 	snop  }
0x5: {  	_ = 	snop  }
0x6: {  	_ = 	snop  }
0x7: {  	_ = 	snop  }
__scs_overlays_trampoline_lowered:
0x8: {  	[smem:$0x3FA6] =	sst s0  }
0x9: {  	[smem:$0x3FA7] =	sst s1  }
0xa: {  	[smem:$0x3FA8] =	sst s2  }
0xb: {  	[smem:$0x3FA9] =	sst s3  }
0xc: {  	[smem:$0x3FAA] =	sst s4  }
0xd: {  	[smem:$0x3FAB] =	sst s5  }
0xe: {  	[smem:$0x3FAC] =	sst s6  }
0xf: {  	[smem:$0x3FAD] =	sst s7  }
0x10: {  	[smem:$0x3FAE] =	sst s8  }
0x11: {  	[smem:$0x3FAF] =	sst s9;
	s0 =	simm.s32 @!p0 $0x0  }
0x12: {  	s1 =	sld [smem:$0x3F95];
	s0 =	simm.s32 @p0 $0x1  }
0x13: {  	[smem:$0x3FB0] =	sst s0;
	s0 =	simm.s32 @!p1 $0x0  }
0x14: {  	s2 =	sld [smem:$0x3F94];
	s0 =	simm.s32 @p1 $0x1  }
0x15: {  	[smem:$0x3FB1] =	sst s0;
	s0 =	simm.s32 @!p2 $0x0  }
0x16: {  	s3 =	sld [smem:$0x3FDB];
	s0 =	simm.s32 @p2 $0x1  }
0x17: {  	s4 =	simm.s32 $0x1BF5;
	[smem:$0x3FB3] =	sst s0  }
0x18: {  	s0 =	sld [smem:$0x3F96];
	_ =	swait.ge [sflag:s4], $0x0  }
0x19: {  	s7 =	sld [smem:$0x3F97]  }
0x1a: {  	s8 =	sadd.s32 $0xFFFFE003, lr  }
0x1b: {  	s9 =	sadd.s32 $0xFFFFFEF7, lr;
	s5 =	simm.s32 $0xFFFFFFFF;
	p2 =	slt.u32 s8, $0xFFFFF086  }
0x1c: {  	p1 =	slt.u32 s9, $0xF7A;
	s5 =	simm.s32 @!p2 $0x0  }
0x1d: {  	s5 =	simm.s32 @p1 $0x1;
	p0 =	seq.s32 s7, s2  }
0x1e: {  	s7 =	smul.u32 @!p0 $0xF7A, s2;
	p2 =	seq.s32 @!p0 s5, $0x0  }
0x1f: {  	s9 =	smul.u32 $0xF7A, s1;
	s8 =	simm.s32 @!p0 $0x1BF5;
	p2 =	por !p2, p0  }
0x20: {  	[sflag:s8] =	ssyncset.s32 @!p0 $0xFFFFF086;
	s6 =	sadd.s32 @!p0 s3, s7;
	s7 =	simm.s32 @!p0 $0x108  }
0x21: {  	s3 =	sadd.s32 s3, s9;
	s6 =	sadd.s32 @!p0 $0x88, s6;
	s7 =	simm.s32 @p2 $0x1082  }
0x22: {  	[simem:s7], [sflag:s8] =	dma.local @!p0 [hbm:s6], $0xF7A  }
0x23: {  	s9 =	sor.u32 $0xD0000000, s2;
	s6 =	simm.s32 $0x108;
	_ =	swait.ge @!p0 [sflag:s8], $0x0  }
0x24: {  	s3 =	sadd.s32 $0x88, s3;
	s6 =	simm.s32 @!p1 $0x1082;
	[sflag:s4] =	ssyncset.s32 $0xFFFFF086  }
0x25: {  	[simem:s6], [sflag:s4] =	dma.local [hbm:s3], $0xF7A  }
0x26: {  	[smem:$0x3F97] =	sst s1;
	(tag) =	ssettag s2;
	_ =	strace s9  }
0x27: {  	s1 =	sld [smem:$0x3FA7]  }
0x28: {  	s2 =	sld [smem:$0x3FA8]  }
0x29: {  	s4 =	sld [smem:$0x3FAA]  }
0x2a: {  	p0 =	seq.s32 s5, $0x0;
	s5 =	sld [smem:$0x3FAB]  }
0x2b: {  	s6 =	sld [smem:$0x3FAC]  }
0x2c: {  	s7 =	sld [smem:$0x3FAD]  }
0x2d: {  	s3 =	simm.s32 $0x108;
	s8 =	sld [smem:$0x3FAE]  }
0x2e: {  	s3 =	simm.s32 @!p0 $0x1082;
	s9 =	sld [smem:$0x3FAF]  }
0x2f: {  	lr =	sadd.s32 s0, s3;
	s0 =	sld [smem:$0x3FA6]  }
0x30: {  	s3 =	sld [smem:$0x3FA9]  }
0x31: {  	[smem:$0x3FB2] =	sst s10  }
0x32: {  	s10 =	sld [smem:$0x3FB0];
	_ =	sdelay $0x3  }
0x33: {  	p0 =	seq.s32 s10, $0x1;
	s10 =	sld [smem:$0x3FB2];
	_ =	sdelay $0x3  }
0x34: {  	[smem:$0x3FB2] =	sst s10  }
0x35: {  	s10 =	sld [smem:$0x3FB1];
	_ =	sdelay $0x3  }
0x36: {  	p1 =	seq.s32 s10, $0x1;
	s10 =	sld [smem:$0x3FB2];
	_ =	sdelay $0x3  }
0x37: {  	[smem:$0x3FB2] =	sst s10  }
0x38: {  	s10 =	sld [smem:$0x3FB3]  }
0x39: {  	_ = 	snop;
	(pc) =	sbr.ind lr, $3  }
0x3a: {  	_ = 	snop  }
0x3b: {  	_ = 	snop  }
0x3c: {  	p2 =	seq.s32 s10, $0x1;
	s10 =	sld [smem:$0x3FB2]  }
0x3d: {  	_ =	shalt  }
0x3e: {  	_ =	shalt  }
0x3f: {  	_ =	shalt  }
0x40: {  	_ =	shalt  }
0x41: {  	_ =	shalt  }
0x42: {  	_ =	shalt  }
0x43: {  	_ =	shalt  }
0x44: {  	_ =	shalt  }
0x45: {  	_ =	shalt  }
0x46: {  	_ =	shalt  }
0x47: {  	_ =	shalt  }
0x48: {  	_ =	shalt  }
0x49: {  	_ =	shalt  }
0x4a: {  	_ =	shalt  }
0x4b: {  	_ =	shalt  }
0x4c: {  	_ =	shalt  }
0x4d: {  	_ =	shalt  }
0x4e: {  	_ =	shalt  }
0x4f: {  	_ =	shalt  }
0x50: {  	_ =	shalt  }
0x51: {  	_ =	shalt  }
0x52: {  	_ =	shalt  }
0x53: {  	_ =	shalt  }
0x54: {  	_ =	shalt  }
0x55: {  	_ =	shalt  }
0x56: {  	_ =	shalt  }
0x57: {  	_ =	shalt  }
0x58: {  	_ =	shalt  }
0x59: {  	_ =	shalt  }
0x5a: {  	_ =	shalt  }
0x5b: {  	_ =	shalt  }
0x5c: {  	_ =	shalt  }
0x5d: {  	_ =	shalt  }
0x5e: {  	_ =	shalt  }
0x5f: {  	_ =	shalt  }
0x60: {  	_ =	shalt  }
0x61: {  	_ =	shalt  }
0x62: {  	_ =	shalt  }
0x63: {  	_ =	shalt  }
0x64: {  	_ =	shalt  }
0x65: {  	_ =	shalt  }
0x66: {  	_ =	shalt  }
0x67: {  	_ =	shalt  }
0x68: {  	_ =	shalt  }
0x69: {  	_ =	shalt  }
0x6a: {  	_ =	shalt  }
0x6b: {  	_ =	shalt  }
0x6c: {  	_ =	shalt  }
0x6d: {  	_ =	shalt  }
0x6e: {  	_ =	shalt  }
0x6f: {  	_ =	shalt  }
0x70: {  	_ =	shalt  }
0x71: {  	_ =	shalt  }
0x72: {  	_ =	shalt  }
0x73: {  	_ =	shalt  }
0x74: {  	_ =	shalt  }
0x75: {  	_ =	shalt  }
0x76: {  	_ =	shalt  }
0x77: {  	_ =	shalt  }
0x78: {  	_ =	shalt  }
0x79: {  	_ =	shalt  }
0x7a: {  	_ =	shalt  }
0x7b: {  	_ =	shalt  }
0x7c: {  	_ =	shalt  }
0x7d: {  	_ =	shalt  }
0x7e: {  	_ =	shalt  }
0x7f: {  	_ =	shalt  }
0x80: {  	_ =	shalt  }
0x81: {  	_ =	shalt  }
0x82: {  	_ =	shalt  }
0x83: {  	_ =	shalt  }
0x84: {  	_ =	shalt  }
0x85: {  	_ =	shalt  }
0x86: {  	_ =	shalt  }
0x87: {  	_ =	shalt  }
.Lfunc_end0:
.L_simem_size_0:
called_computation_lowered:
.L_overlay_start_0:
0x88: {  	s2 =	sld [smem:$0x3FD9]  }
0x89: {  	s3 =	sld [smem:$0x3FFE];
	_ =	sdelay $0x1  }
0x8a: {  	s1 =	srdreg.scid  }
0x8b: {  	s0 =	sand.u32 $0x1, s1  }
0x8c: {  	s17 =	sshll.u32 s0, $0xA;
	s2 =	sadd.s32 s3, s2  }
0x8d: {  	s2 =	sadd.s32 s2, s17  }
0x8e: {  	[smem:$0x3FBE] =	sst s2  }
0x8f: {  	_ = 	snop  }
0x90: {  	s2 =	sld [smem:$0x3FD0];
	(tm) =	ssettm $0x1  }
0x91: {  	s18 =	sld [smem:$0x3FFB];
	_ =	sdelay $0x3  }
0x92: {  	_ =	strace s18  }
0x93: {  	s3 =	sld [smem:$0x3FFC];
	_ =	sdelay $0x3  }
0x94: {  	_ =	strace s3  }
0x95: {  	s3 =	sld [smem:$0x3FFD];
	_ =	sdelay $0x3  }
0x96: {  	_ =	strace s3  }
0x97: {  	_ =	strace $0x8FFFFFFF  }
0x98: {  	s19 =	sld [smem:$0x3FDB];
	_ =	sdelay $0x1  }
0x99: {  	s4 =	simm.s32 $_scs_section_size  }
0x9a: {  	s5 =	simm.s32 $_size__tile_overlayer_lowered;
	s6 =	simm.s32 $_tile_overlayer_lowered  }
0x9b: {  	s22 =	simm.s32 $0x1BFF;
	s21 =	sshll.u32 s6, $0x1;
	s3 =	sadd.s32 s4, s19  }
0x9c: {  	s7 =	simm.s32 $0x0;
	s20 =	sshll.u32 s5, $0x1;
	s5 =	sadd.s32 s21, s3  }
0x9d: {  	[timem:s7], [sflag:s22] =	dma.local [hbm:s5], s20  }
0x9e: {  	_ =	swait.ge [sflag:s22], s20  }
0x9f: {  	s4 =	ssub.s32 $0x0, s20;
	[sflag:s22] =	ssyncset.done $0x0  }
0xa0: {  	[sflag:s22] =	ssyncadd.s32 s4;
	_ =	sdelay $0x1  }
0xa1: {  	s23 =	simm.s32 $0x1B8B  }
0xa2: {  	_ =	swait.ge [sflag:s23], $0x1  }
0xa3: {  	[sflag:s23] =	ssyncset.done $0x0  }
0xa4: {  	s25 =	simm.s32 $0x1B8E;
	s24 =	sld [smem:$0x3FFE];
	[sflag:s23] =	ssyncadd.s32 $0xFFFFFFFF  }
0xa5: {  	s26 =	simm.s32 $execute0_lowered;
	[smem:$0x3FD2] =	sst s25  }
0xa6: {  	s5 =	sshll.u32 s26, $0x1;
	_ =	strace $0x80000046;
	[dreg:$0x1] =	wrdreg $0xFFFFFFFF  }
0xa7: {  	s28 =	simm.s32 $_size_execute0_lowered;
	s3 =	sadd.s32 s3, s5;
	[dreg:$0x0] =	wrdreg $0x0  }
0xa8: {  	s5 =	sshll.u32 s28, $0x1;
	[dreg:$0x2] =	wrdreg s3  }
0xa9: {  	[dreg:$0x3] =	wrdreg s5  }
0xaa: {  	[dreg:$0x4] =	wrdreg $0xC0  }
0xab: {  	_ =	task [dreg:s7], $0x5FFFF  }
0xac: {  	[dreg:$0x1] =	wrdreg $0xFFFFFFFF  }
0xad: {  	[dreg:$0x0] =	wrdreg $0x60  }
0xae: {  	[dreg:$0x2] =	wrdreg s2  }
0xaf: {  	[dreg:$0x3] =	wrdreg s24  }
0xb0: {  	[dreg:$0x4] =	wrdreg $0x57500  }
0xb1: {  	[dreg:$0x5] =	wrdreg $0x9  }
0xb2: {  	_ =	task.clear_ibuf [dreg:s7], $0x6FFFF;
	_ =	strace $0x90000046  }
0xb3: {  	s29 =	simm.s32 $0x9;
	_ =	strace $0x80000048  }
0xb4: {  	_ =	swait.ge [sflag:s29], $0x1  }
0xb5: {  	[sflag:s29] =	ssyncadd.s32 $0xFFFFFFFF  }
0xb6: {  	_ =	strace $0x90000048  }
0xb7: {  	_ =	sfence  }
0xb8: {  	s30 =	sld [smem:$0x0];
	_ =	sdelay $0x2  }
0xb9: {  	s31 =	sshll.u32 s1, $0xD;
	s1 =	sshrl.u32 s1, $0x2  }
0xba: {  	s3 =	sand.u32 $0x4000, s31;
	s1 =	sadd.s32 s1, s30  }
0xbb: {  	s0 =	sor.u32 s3, s0;
	s1 =	sshll.u32 s1, $0x11  }
0xbc: {  	s0 =	sor.u32 s1, s0  }
0xbd: {  	s0 =	sadd.s32 $0x8F2B, s0  }
0xbe: {  	[sflag:s0] =	ssyncadd.remote.s32 $0x1  }
0xbf: {  	_ =	sfence.sel $0xFFFF  }
0xc0: {  	[dreg:$0x0] =	wrdreg $0xFFFFFFFF;
	(pc) =	sbr.abs _section_cstart, $3  }
0xc1: {  	[dreg:$0x1] =	wrdreg $0xFFFFFFFF  }
0xc2: {  	_ =	task.clear_ibuf [dreg:s7], $0x2FFFF;
	_ =	strace $0x9FFFFFFF  }
0xc3: {  	(tm) =	ssettm $0x7FFFFFFF  }
tec
execute0_lowered:
.L_overlay_start_1:
0x0: {  	(tag) =	ssettag $0x1  }
0x1: {  	s6 =	rddreg [dreg:$0x0]  }
0x2: {  	s7 =	rddreg [dreg:$0x1]  }
0x3: {  	s2 =	rddreg [dreg:$0x2]  }
0x4: {  	s0 =	rddreg [dreg:$0x3];
	s4 =	srdreg.scid  }
0x5: {  	s1 =	stileid.u32;
	s3 =	simm.s32 $0x0;
	s13 =	simm.s32 $0x2800  }
0x6: {  	s14 =	simm.s32 $0x7D;
	s15 =	simm.s32 $0x1;
	s16 =	simm.s32 $0x2FD0  }
0x7: {  	s17 =	simm.s32 $0x0;
	s8 =	sand.u32 $0x1, s4;
	s9 =	smul.u32 $0x2780, s1  }
0x8: {  	[smem:$0x7FF] =	sst s3;
	s28 =	sshll.u32 s1, $0x1;
	s4 =	sadd.s32 $0x2C00, s7  }
0x9: {  	s30 =	sshll.u32 s1, $0x6;
	s5 =	smul.u32 $0x27800, s8;
	s10 =	sor.u32 s8, s28  }
0xa: {  	_ =	strace $0x80000047;
	s8 =	ssub.s32 $0x2, s8;
	s10 =	smul.u32 $0x2800, s10  }
0xb: {  	s29 =	sshrl.u32 s8, $0x1;
	s11 =	sadd.s32 s9, s5;
	s5 =	sadd.s32 $0x2600, s7  }
0xc: {  	s12 =	ssub.s32 s8, s29;
	s11 =	sshrl.u32 s11, $0x3;
	s10 =	sshrl.u32 s10, $0x3  }
0xd: {  	s11 =	sadd.s32 s11, s7;
	s31 =	sadd.s32 s6, s10;
	s6 =	sadd.s32 s9, s2  }
0xe: {  	s7 =	sor.u32 $0x1C02, s30;
	s10 =	smax.u32 s12, $0x1;
	s12 =	simm.s32 $0x2  }
0xf: {  	s8 =	sadd.s32 $0xA000, s31;
	s9 =	sadd.s32 $0x2E00, s11;
	s11 =	sshrl.u32 s6, $0x3  }
.LBB2_1:
0x10: {  	[spmem:s11], [sflag:s7] =	dma.local [hbm:s5], $0x4F0  }
0x11: {  	_ =	swait.ge [sflag:s12], $0x4F0  }
0x12: {  	[sflag:s12] =	ssyncset.done $0x0  }
0x13: {  	[sflag:s12] =	ssyncadd.s32 $0xFFFFFB10  }
0x14: {  	[tilespmem:s13], [sflag:$0x2] =	stream.linear.gather [hbm4b:s4+s3], $0x7D0, $0x38;
	[tilespmem:$0x7ED0] =	vst v63  }
0x15: {  	_ =	swait.ge [sflag:s12], $0x7D0  }
0x16: {  	[sflag:s12] =	ssyncset.done $0x0  }
0x17: {  	[sflag:s12] =	ssyncadd.s32 $0xFFFFF830  }
0x18: {  	[tilespmem:s3], [sflag:$0x2] =	stream.linear.gather [hbm4b:s8+s3], $0x2800, $0x38;
	[tilespmem:$0x7ED0] =	vst v63  }
0x19: {  	_ =	swait.ge [sflag:s12], $0x2800  }
0x1a: {  	[sflag:s12] =	ssyncset.done $0x0  }
0x1b: {  	[sflag:s12] =	ssyncadd.s32 $0xFFFFD800  }
0x1c: {  	[bflag:$0x0] =	sbarrier.arrive $0xFFFF  }
0x1d: {  	[spmem:s2] =	stream.indirect.scatter.add.f32 [tilespmem:s13], [sflag:$0x1], $0x10, s3, s14, $0xb8;
	[tilespmem:$0x7ED0] =	vst v63  }
0x1e: {  	s18 =	simm.s32 $0x80  }
0x1f: {  	[spmem:s2] =	stream.indirect.scatter.add.f32 [tilespmem:s13], [sflag:$0x1], $0x10, s18, s14, $0xb8;
	[tilespmem:$0x7ED0] =	vst v63  }
0x20: {  	_ =	swait.ge [sflag:s15], $0x7D0  }
0x21: {  	s18 =	simm.s32 $0x400;
	[sflag:s15] =	ssyncset.done $0x0  }
.LBB2_2:
0x22: {  	s19 =	sshra.s32 s18, $0x2;
	[sflag:s15] =	ssyncadd.s32 $0xFFFFF830;
	p0 =	sne.s32 s18, $0x9E00  }
0x23: {  	[spmem:s2] =	stream.indirect.scatter.add.f32 [tilespmem:s13], [sflag:$0x1], $0x10, s19, s14, $0xb8;
	[tilespmem:$0x7ED0] =	vst v63  }
.Ltmp0:
0x24: {  	_ = 	snop;
	(pc) =	sbr.rel @p0 .LBB2_2-.Ltmp0, $4  }
0x25: {  	_ = 	snop  }
0x26: {  	s18 =	sadd.s32 $0x200, s18  }
0x27: {  	_ =	swait.ge [sflag:s15], $0x7D0  }
0x28: {  	[sflag:s15] =	ssyncset.done $0x0  }
0x29: {  	[sflag:s15] =	ssyncadd.s32 $0xFFFFF830  }
0x2a: {  	_ =	swait.ge [sflag:s15], $0x7D0  }
0x2b: {  	[sflag:s15] =	ssyncset.done $0x0  }
0x2c: {  	[sflag:s15] =	ssyncadd.s32 $0xFFFFF830  }
0x2d: {  	[bflag:$0x0] =	sbarrier.arrive $0xFFFF  }
0x2e: {  	[tilespmem:s16], [sflag:$0x2] =	stream.linear.gather [spmem:s6], $0x2780, $0x38;
	[tilespmem:$0x7ED0] =	vst v63  }
0x2f: {  	s17 =	sadd.s32 $0x1, s17;
	_ =	swait.ge [sflag:s12], $0x2780  }
0x30: {  	p0 =	sne.s32 s17, s10;
	[sflag:s12] =	ssyncset.done $0x0  }
.Ltmp1:
0x31: {  	[sflag:s12] =	ssyncadd.s32 $0xFFFFD880;
	(pc) =	sbr.rel @p0 .LBB2_1-.Ltmp1, $4  }
0x32: {  	[hbm4b:s9+s3] =	stream.linear.scatter [tilespmem:s16], [sflag:$0x2], $0x2780, $0x38;
	[tilespmem:$0x7ED0] =	vst v63  }
0x33: {  	_ =	swait.ge [sflag:s12], $0x2780  }
0x34: {  	[sflag:s12] =	ssyncset.done $0x0  }
0x35: {  	[sflag:s12] =	ssyncadd.s32 $0xFFFFD880  }
0x36: {  	_ =	sfence.sel $0x180000  }
0x37: {  	[bflag:$0x0] =	sbarrier.arrive $0xFFFF  }
0x38: {  	p0 =	sne.s32 s1, $0x0;
	_ =	strace $0x90000047  }
0x39: {  	s0 =	sadd.s32 @!p0 $0x100000, s0;
	[bflag:$0x2] =	sbarrier.arrive $0xFFFF  }
0x3a: {  	[sflag:s0] =	ssyncadd.tile.s32 @!p0 $0x1;
	_ =	shalt  }
.Lfunc_end2:
_tile_overlayer_lowered:
.L_overlay_start_2:
0x3b: {  	(tag) =	ssettag $0x2  }
0x3c: {  	s0 =	rddreg [dreg:$0x0];
	s2 =	stileid.u32  }
0x3d: {  	s1 =	rddreg [dreg:$0x1];
	p0 =	sne.s32 s2, $0x0  }
0x3e: {  	s3 =	rddreg [dreg:$0x2];
	[bflag:$0x3] =	sbarrier.arrive $0xFFFF;
	s2 =	simm.s32 @!p0 $0x1C02  }
0x3f: {  	[timem:s3], [sflag:s2] =	dma.local @!p0 [hbm:s0], s1  }
0x40: {  	s0 =	simm.s32 @!p0 $0x2  }
0x41: {  	_ =	swait.ge @!p0 [sflag:s0], s1  }
0x42: {  	s1 =	ssub.s32 @!p0 $0x0, s1;
	[sflag:s0] =	ssyncset.done @!p0 $0x0  }
0x43: {  	[sflag:s0] =	ssyncadd.s32 @!p0 s1  }
0x44: {  	[bflag:$0x3] =	sbarrier.arrive $0xFFFF  }
0x45: {  	_ =	shalt  }

</sc_bundles>
